<compile_context>
chip_gen: v7x
topology: tpu7x:2x2x1
jax: 0.10.2.dev20260603
libtpu: 0.0.44.dev20260713+nightly
codegen_flags: <defaults>
</compile_context>

<pallas_src>
import functools

import jax
import jax.numpy as jnp
from jax import lax
from jax.experimental import pallas as pl
from jax.experimental.pallas import tpu as pltpu
from jax.experimental.pallas import tpu_sc as plsc

_SC_PARAMS = dict(use_tc_tiling_on_sc=False, needs_layout_passes=False)


def _sc_node_gather(node_tab, plist_flat, B, N, H, M):
    info = plsc.get_sparse_core_info()
    NC, NS, L = info.num_cores, info.num_subcores, info.num_lanes
    NW = NC * NS
    PW = M // NW
    CH = 64
    NCH = PW // CH
    WPB = NW // B

    mesh = plsc.VectorSubcoreMesh(core_axis_name="c", subcore_axis_name="s")

    @functools.partial(
        pl.kernel,
        mesh=mesh,
        compiler_params=pltpu.CompilerParams(**_SC_PARAMS),
        out_type=jax.ShapeDtypeStruct((2 * M, H), jnp.float32),
        scratch_types=[
            pltpu.VMEM((PW,), jnp.int32),
            pltpu.VMEM((PW,), jnp.int32),
            pltpu.VMEM((2 * PW,), jnp.int32),
            pltpu.VMEM((2 * CH, H), jnp.float32),
            pltpu.VMEM((2 * CH, H), jnp.float32),
            pltpu.SemaphoreType.DMA,
            pltpu.SemaphoreType.DMA,
        ],
    )
    def node_kernel(plist_hbm, node_hbm, hij_hbm,
                    pi_v, pj_v, nij_v, rows_a, rows_b, sem_a, sem_b):
        wid = lax.axis_index("s") * NC + lax.axis_index("c")
        base = pl.multiple_of(wid * PW, PW)
        b_off = (wid // WPB) * N

        pltpu.sync_copy(plist_hbm.at[pl.ds(M + base, PW)], pi_v)
        pltpu.sync_copy(plist_hbm.at[pl.ds(2 * M + base, PW)], pj_v)

        lane2 = lax.broadcasted_iota(jnp.int32, (L,), 0) * 2

        def idx_body(k, carry):
            off = pl.multiple_of(k * L, L)
            idx2 = lane2 + 2 * off
            plsc.store_scatter(nij_v, [idx2], pi_v[pl.ds(off, L)] + b_off)
            plsc.store_scatter(nij_v, [idx2 + 1], pj_v[pl.ds(off, L)] + b_off)
            return carry

        lax.fori_loop(0, PW // L, idx_body, 0)

        def gat_body(k, carry):
            r0 = pl.multiple_of(k * (2 * CH), 2 * CH)
            r1 = r0 + CH
            cp_a = pltpu.async_copy(
                node_hbm.at[nij_v.at[pl.ds(2 * r0, 2 * CH)]], rows_a, sem_a)
            cp_b = pltpu.async_copy(
                node_hbm.at[nij_v.at[pl.ds(2 * r1, 2 * CH)]], rows_b, sem_b)
            cp_a.wait()
            pltpu.sync_copy(rows_a,
                            hij_hbm.at[pl.ds(2 * (base + r0), 2 * CH)])
            cp_b.wait()
            pltpu.sync_copy(rows_b,
                            hij_hbm.at[pl.ds(2 * (base + r1), 2 * CH)])
            return carry

        lax.fori_loop(0, NCH // 2, gat_body, 0)

    return node_kernel(plist_flat, node_tab)


def _sc_edge_gather(edge_pad, plist_flat, m0, MC, B, N, H, M):
    info = plsc.get_sparse_core_info()
    NC, NS, L = info.num_cores, info.num_subcores, info.num_lanes
    NW = NC * NS
    PW = MC // NW
    CH = 128
    NCH = PW // CH
    MB = M // B
    WPB = MB // PW

    mesh = plsc.VectorSubcoreMesh(core_axis_name="c", subcore_axis_name="s")

    @functools.partial(
        pl.kernel,
        mesh=mesh,
        compiler_params=pltpu.CompilerParams(**_SC_PARAMS),
        out_type=jax.ShapeDtypeStruct((MC, 2 * H), jnp.float32),
        scratch_types=[
            pltpu.VMEM((PW,), jnp.int32),
            pltpu.VMEM((PW,), jnp.int32),
            pltpu.VMEM((PW,), jnp.int32),
            pltpu.VMEM((CH, 2 * H), jnp.float32),
            pltpu.SemaphoreType.DMA,
        ],
    )
    def edge_kernel(plist_hbm, edge_hbm, hee_hbm,
                    pi_v, pj_v, ee_v, rows_ee, sem):
        wid = lax.axis_index("s") * NC + lax.axis_index("c")
        base = pl.multiple_of(m0 + wid * PW, PW)
        b_off = (m0 // MB + wid // WPB) * N

        pltpu.sync_copy(plist_hbm.at[pl.ds(M + base, PW)], pi_v)
        pltpu.sync_copy(plist_hbm.at[pl.ds(2 * M + base, PW)], pj_v)

        def idx_body(k, carry):
            off = pl.multiple_of(k * L, L)
            j16 = pj_v[pl.ds(off, L)]
            ee_v[pl.ds(off, L)] = (pi_v[pl.ds(off, L)] + b_off) * N + j16
            return carry

        lax.fori_loop(0, PW // L, idx_body, 0)

        def gat_body(c, carry):
            r0 = pl.multiple_of(c * CH, CH)
            cp = pltpu.async_copy(
                edge_hbm.at[ee_v.at[pl.ds(r0, CH)]], rows_ee, sem)
            cp.wait()
            pltpu.sync_copy(rows_ee,
                            hee_hbm.at[pl.ds(base - m0 + r0, CH)])
            return carry

        lax.fori_loop(0, NCH, gat_body, 0)

    return edge_kernel(plist_flat, edge_pad)


def _tc_matmul(prev_out, hij2, hee_k, Wt, bias2d, m0, MC, M, H):
    BM = 4096
    OUT = Wt.shape[1]
    blk0 = m0 // BM

    def mm_body(*refs):
        hij_ref, hee_ref, wt_ref, b_ref, o_ref = refs[-5:]
        wt = wt_ref[...]
        hij = hij_ref[...]
        acc = jnp.dot(hij[:, 0:H], wt[0:H],
                      preferred_element_type=jnp.float32)
        acc = acc + jnp.dot(hij[:, H:2 * H], wt[H:2 * H],
                            preferred_element_type=jnp.float32)
        acc = acc + jnp.dot(hee_ref[:, 0:H], wt[2 * H:3 * H],
                            preferred_element_type=jnp.float32)
        o_ref[...] = acc + b_ref[...]

    in_specs = [
        pl.BlockSpec((BM, 2 * H), lambda i: (blk0 + i, 0)),
        pl.BlockSpec((BM, 2 * H), lambda i: (i, 0)),
        pl.BlockSpec((3 * H, OUT), lambda i: (0, 0)),
        pl.BlockSpec((1, OUT), lambda i: (0, 0)),
    ]
    args = (hij2, hee_k, Wt, bias2d)
    aliases = {}
    if prev_out is not None:
        in_specs = [pl.BlockSpec(memory_space=pl.ANY)] + in_specs
        args = (prev_out,) + args
        aliases = {0: 0}

    return pl.pallas_call(
        mm_body,
        grid=(MC // BM,),
        in_specs=in_specs,
        out_specs=pl.BlockSpec((BM, OUT), lambda i: (blk0 + i, 0)),
        out_shape=jax.ShapeDtypeStruct((M, OUT), jnp.float32),
        input_output_aliases=aliases,
    )(*args)


def kernel(h_node, h_edge, pairlist, W, bias):
    B, N, H = h_node.shape
    M = pairlist.shape[0]
    plist_flat = pairlist.T.reshape(-1)
    Wt = W.T
    bias2d = bias.reshape(1, -1)

    node_tab = h_node.reshape(B * N, H)
    edge_pad = jnp.pad(h_edge.reshape(B * N * N, H), ((0, 0), (0, H)))

    hij = _sc_node_gather(node_tab, plist_flat, B, N, H, M)
    hij2 = hij.reshape(M, 2 * H)

    K = 2
    MC = M // K
    hees = [_sc_edge_gather(edge_pad, plist_flat, k * MC, MC, B, N, H, M)
            for k in range(K)]
    out = None
    for k in range(K):
        out = _tc_matmul(out, hij2, hees[k], Wt, bias2d, k * MC, MC, M, H)
    return out.reshape(B, M // B, out.shape[-1])

# --- scband reference (transcript-rebuilt; emitter-appended) ---
"""Pipeline reference for scband-sggm-6055903887543 (READ-ONLY COPY).

The authoritative reference and input builder live on the scoring server;
editing this copy changes nothing except your own understanding.
"""

import jax, jax.numpy as jnp
import numpy as np

B, N, H, M = 8, 256, 64, 65536
MB = M // B  # pairs per graph; equal-length batch segments so pad_sequence == reshape


def setup_inputs(seed: int = 0) -> dict:
    key = jax.random.key(seed)
    k1, k2, k3, k4, k5, k6 = jax.random.split(key, 6)
    h_node = jax.random.normal(k1, (B, N, H), dtype=jnp.float32)
    h_edge = jax.random.normal(k2, (B, N, N, H), dtype=jnp.float32)
    # pairlist rows are (b, i, j); rows must be sorted by b (propagate splits on b changes)
    pb = jnp.repeat(jnp.arange(B, dtype=jnp.int32), MB)
    pi = jax.random.randint(k3, (M,), 0, N, dtype=jnp.int32)
    pj = jax.random.randint(k4, (M,), 0, N, dtype=jnp.int32)
    pairlist = jnp.stack([pb, pi, pj], axis=1)
    # foward_message_layer: Linear(3H -> 2*3*H), torch convention out = x @ W.T + b
    W = jax.random.normal(k5, (2 * 3 * H, 3 * H), dtype=jnp.float32) * (1.0 / np.sqrt(3 * H))
    bias = jax.random.normal(k6, (2 * 3 * H,), dtype=jnp.float32) * 0.01
    return {"h_node": h_node, "h_edge": h_edge, "pairlist": pairlist, "W": W, "bias": bias}


def reference(h_node, h_edge, pairlist, W, bias):
    # SGGM.propagate: for each pair (b, i, j) build cat(h_node[b,i], h_node[b,j], h_edge[b,i,j]),
    # group consecutive rows with equal b, pad to per-batch sequences, then apply the
    # message linear layer. With equal-length batch segments, pad_sequence is a reshape.
    pb = pairlist[:, 0]
    pi = pairlist[:, 1]
    pj = pairlist[:, 2]
    hi = h_node[pb, pi]            # gather [M, H]
    hj = h_node[pb, pj]            # gather [M, H]
    he = h_edge[pb, pi, pj]        # gather [M, H] from dense [B, N, N, H]
    m = jnp.concatenate([hi, hj, he], axis=-1)   # [M, 3H]
    m = m @ W.T + bias                            # [M, 6H]
    NN = pairlist.shape[0] // h_node.shape[0]
    return m.reshape(h_node.shape[0], NN, 2 * 3 * h_node.shape[2])

if __name__ == "__main__":
    import jax
    _d = setup_inputs()
    print(jax.jit(kernel)(*tuple(_d.values())))

</pallas_src>

<mosaic_0001>
#map = affine_map<(d0, d1) -> (0)>
#map1 = affine_map<(d0, d1) -> (0, 0)>
module attributes {stable_mosaic.version = 14 : i64} {
  func.func @edge_kernel(%arg0: i32, %arg1: i32, %arg2: memref<196608xi32, #tpu.memory_space<hbm>>, %arg3: memref<524288x128xf32, #tpu.memory_space<hbm>>, %arg4: memref<32768x128xf32, #tpu.memory_space<hbm>>, %arg5: memref<1024xi32, #tpu.memory_space<vmem>>, %arg6: memref<1024xi32, #tpu.memory_space<vmem>>, %arg7: memref<1024xi32, #tpu.memory_space<vmem>>, %arg8: memref<128x128xf32, #tpu.memory_space<vmem>>, %arg9: memref<!tpu.dma_semaphore, #tpu.memory_space<semaphore_mem>>) attributes {dimension_semantics = [#tpu.dimension_semantics<core_parallel>, #tpu.dimension_semantics<subcore_parallel>], iteration_bounds = array<i64: 2, 16>, scalar_prefetch = 0 : i64, scratch_operands = 5 : i64, tpu.core_type = #tpu.core_type<sc_vector_subcore>, window_params = [{transform_indices = #map}, {transform_indices = #map1}, {transform_indices = #map1}]} {
    %mul3A = arith.constant 2 : i32
    %mul3A_0 = arith.muli %arg1, %mul3A : i32
    %add3A = arith.addi %mul3A_0, %arg0 : i32
    %mul3A_1 = arith.constant 1024 : i32
    %mul3A_2 = arith.muli %add3A, %mul3A_1 : i32
    %add3A_3 = arith.constant 32768 : i32
    %add3A_4 = arith.addi %add3A_3, %mul3A_2 : i32
    %multiple_of3A = tpu.assume_multiple %add3A_4, 1024 : i32
    %jit3A = arith.constant 8 : i32
    %div3A = arith.divsi %add3A, %jit3A : i32
    %sign3A = arith.constant 0 : i32
    %sign3A_5 = arith.cmpi sgt, %add3A, %sign3A : i32
    %sign3A_6 = arith.extui %sign3A_5 : i1 to i32
    %sign3A_7 = arith.constant 0 : i32
    %sign3A_8 = arith.cmpi slt, %add3A, %sign3A_7 : i32
    %sign3A_9 = arith.extui %sign3A_8 : i1 to i32
    %sign3A_10 = arith.subi %sign3A_6, %sign3A_9 : i32
    %sign3A_11 = arith.constant 0 : i32
    %sign3A_12 = arith.cmpi sgt, %jit3A, %sign3A_11 : i32
    %sign3A_13 = arith.extui %sign3A_12 : i1 to i32
    %sign3A_14 = arith.constant 0 : i32
    %sign3A_15 = arith.cmpi slt, %jit3A, %sign3A_14 : i32
    %sign3A_16 = arith.extui %sign3A_15 : i1 to i32
    %sign3A_17 = arith.subi %sign3A_13, %sign3A_16 : i32
    %ne3A = arith.cmpi ne, %sign3A_10, %sign3A_17 : i32
    %rem3A = arith.remsi %add3A, %jit3A : i32
    %ne3A_18 = arith.constant 0 : i32
    %ne3A_19 = arith.cmpi ne, %rem3A, %ne3A_18 : i32
    %and3A = arith.andi %ne3A, %ne3A_19 : i1
    %sub3A = arith.constant 1 : i32
    %sub3A_20 = arith.subi %div3A, %sub3A : i32
    %select_n3A = arith.select %and3A, %sub3A_20, %div3A : i32
    %add3A_21 = arith.constant 4 : i32
    %add3A_22 = arith.addi %add3A_21, %select_n3A : i32
    %mul3A_23 = arith.constant 256 : i32
    %mul3A_24 = arith.muli %add3A_22, %mul3A_23 : i32
    %add3A_25 = arith.constant 65536 : i32
    %add3A_26 = arith.addi %add3A_25, %multiple_of3A : i32
    "tpu.region"() ({
      %run_scoped3A = tpu.sem_alloc : memref<!tpu.dma_semaphore, #tpu.memory_space<semaphore_mem>>
      %dma_start3A = tpu.memref_slice %arg2[%add3A_26] : memref<196608xi32, #tpu.memory_space<hbm>> -> memref<1024xi32, #tpu.memory_space<hbm>>
      %dma_start3A_40 = tpu.memref_slice %arg2[%add3A_26] : memref<196608xi32, #tpu.memory_space<hbm>> -> memref<1024xi32, #tpu.memory_space<hbm>>
      tpu.enqueue_dma source(%dma_start3A_40 : memref<1024xi32, #tpu.memory_space<hbm>>) target(%arg5 : memref<1024xi32, #tpu.memory_space<vmem>>) target_semaphore(%run_scoped3A : memref<!tpu.dma_semaphore, #tpu.memory_space<semaphore_mem>>)
      %dma_wait3A = tpu.memref_slice %arg2[%add3A_26] : memref<196608xi32, #tpu.memory_space<hbm>> -> memref<1024xi32, #tpu.memory_space<hbm>>
      %dma_wait3A_41 = tpu.memref_slice %arg2[%add3A_26] : memref<196608xi32, #tpu.memory_space<hbm>> -> memref<1024xi32, #tpu.memory_space<hbm>>
      tpu.wait_dma2 semaphore(%run_scoped3A : memref<!tpu.dma_semaphore, #tpu.memory_space<semaphore_mem>>) src(%dma_wait3A_41 : memref<1024xi32, #tpu.memory_space<hbm>>) dst(%arg5 : memref<1024xi32, #tpu.memory_space<vmem>>)
      tpu.yield
    }) : () -> ()
    %add3A_27 = arith.constant 131072 : i32
    %add3A_28 = arith.addi %add3A_27, %multiple_of3A : i32
    "tpu.region"() ({
      %run_scoped3A = tpu.sem_alloc : memref<!tpu.dma_semaphore, #tpu.memory_space<semaphore_mem>>
      %dma_start3A = tpu.memref_slice %arg2[%add3A_28] : memref<196608xi32, #tpu.memory_space<hbm>> -> memref<1024xi32, #tpu.memory_space<hbm>>
      %dma_start3A_40 = tpu.memref_slice %arg2[%add3A_28] : memref<196608xi32, #tpu.memory_space<hbm>> -> memref<1024xi32, #tpu.memory_space<hbm>>
      tpu.enqueue_dma source(%dma_start3A_40 : memref<1024xi32, #tpu.memory_space<hbm>>) target(%arg6 : memref<1024xi32, #tpu.memory_space<vmem>>) target_semaphore(%run_scoped3A : memref<!tpu.dma_semaphore, #tpu.memory_space<semaphore_mem>>)
      %dma_wait3A = tpu.memref_slice %arg2[%add3A_28] : memref<196608xi32, #tpu.memory_space<hbm>> -> memref<1024xi32, #tpu.memory_space<hbm>>
      %dma_wait3A_41 = tpu.memref_slice %arg2[%add3A_28] : memref<196608xi32, #tpu.memory_space<hbm>> -> memref<1024xi32, #tpu.memory_space<hbm>>
      tpu.wait_dma2 semaphore(%run_scoped3A : memref<!tpu.dma_semaphore, #tpu.memory_space<semaphore_mem>>) src(%dma_wait3A_41 : memref<1024xi32, #tpu.memory_space<hbm>>) dst(%arg6 : memref<1024xi32, #tpu.memory_space<vmem>>)
      tpu.yield
    }) : () -> ()
    %scan3A = arith.constant 0 : i32
    %scan3A_29 = arith.constant 0 : i32
    %scan3A_30 = arith.constant 64 : i32
    %scan3A_31 = arith.addi %scan3A_29, %scan3A_30 : i32
    %scan3A_32 = arith.constant 1 : i32
    scf.for %scan3A_40 = %scan3A_29 to %scan3A_31 step %scan3A_32  : i32 {
      %mul3A_41 = arith.constant 16 : i32
      %mul3A_42 = arith.muli %scan3A_40, %mul3A_41 : i32
      %multiple_of3A_43 = tpu.assume_multiple %mul3A_42, 16 : i32
      %get3A = arith.index_cast %multiple_of3A_43 : i32 to index
      %get3A_44 = tpu.vector_load %arg6[%get3A] {strides = array<i32>} : memref<1024xi32, #tpu.memory_space<vmem>>, vector<16xi32>,
      %get3A_45 = arith.index_cast %multiple_of3A_43 : i32 to index
      %get3A_46 = tpu.vector_load %arg5[%get3A_45] {strides = array<i32>} : memref<1024xi32, #tpu.memory_space<vmem>>, vector<16xi32>,
      %add3A_47 = vector.broadcast %mul3A_24 : i32 to vector<16xi32>
      %add3A_48 = arith.addi %get3A_46, %add3A_47 : vector<16xi32>
      %mul3A_49 = arith.constant 256 : i32
      %mul3A_50 = vector.broadcast %mul3A_49 : i32 to vector<16xi32>
      %mul3A_51 = arith.muli %add3A_48, %mul3A_50 : vector<16xi32>
      %add3A_52 = arith.addi %mul3A_51, %get3A_44 : vector<16xi32>
      %swap3A = arith.index_cast %multiple_of3A_43 : i32 to index
      %swap3A_53 = tpu.vector_load %arg7[%swap3A] {strides = array<i32>} : memref<1024xi32, #tpu.memory_space<vmem>>, vector<16xi32>,
      tpu.vector_store %arg7[%swap3A], %add3A_52 {strides = array<i32>} : memref<1024xi32, #tpu.memory_space<vmem>>, vector<16xi32>,
    }
    %scan3A_33 = arith.constant 64 : i32
    %scan3A_34 = arith.constant 0 : i32
    %scan3A_35 = arith.constant 0 : i32
    %scan3A_36 = arith.constant 8 : i32
    %scan3A_37 = arith.addi %scan3A_35, %scan3A_36 : i32
    %scan3A_38 = arith.constant 1 : i32
    scf.for %scan3A_40 = %scan3A_35 to %scan3A_37 step %scan3A_38  : i32 {
      %mul3A_41 = arith.constant 128 : i32
      %mul3A_42 = arith.muli %scan3A_40, %mul3A_41 : i32
      %multiple_of3A_43 = tpu.assume_multiple %mul3A_42, 128 : i32
      %dma_start3A = tpu.memref_slice %arg7[%multiple_of3A_43] : memref<1024xi32, #tpu.memory_space<vmem>> -> memref<128xi32, #tpu.memory_space<vmem>>
      %dma_start3A_44 = arith.constant 0 : i32
      %dma_start3A_45 = arith.constant 0 : i32
      %dma_start3A_46 = tpu.memref_slice %arg3[%dma_start3A_44, %dma_start3A_45] : memref<524288x128xf32, #tpu.memory_space<hbm>> -> memref<524288x128xf32, #tpu.memory_space<hbm>>
      tpu.enqueue_indirect_dma source(%dma_start3A_46 : memref<524288x128xf32, #tpu.memory_space<hbm>>) target(%arg8 : memref<128x128xf32, #tpu.memory_space<vmem>>) offsets(%dma_start3A : memref<128xi32, #tpu.memory_space<vmem>>) semaphore(%arg9 : memref<!tpu.dma_semaphore, #tpu.memory_space<semaphore_mem>>)
      %dma_wait3A = tpu.memref_slice %arg7[%multiple_of3A_43] : memref<1024xi32, #tpu.memory_space<vmem>> -> memref<128xi32, #tpu.memory_space<vmem>>
      %dma_wait3A_47 = arith.constant 0 : i32
      %dma_wait3A_48 = arith.constant 0 : i32
      %dma_wait3A_49 = tpu.memref_slice %arg3[%dma_wait3A_47, %dma_wait3A_48] : memref<524288x128xf32, #tpu.memory_space<hbm>> -> memref<524288x128xf32, #tpu.memory_space<hbm>>
      tpu.wait_indirect_dma semaphore(%arg9 : memref<!tpu.dma_semaphore, #tpu.memory_space<semaphore_mem>>) src(%dma_wait3A_49 : memref<524288x128xf32, #tpu.memory_space<hbm>>) dst(%arg8 : memref<128x128xf32, #tpu.memory_space<vmem>>)
      %sub3A_50 = arith.constant 32768 : i32
      %sub3A_51 = arith.subi %multiple_of3A, %sub3A_50 : i32
      %add3A_52 = arith.addi %sub3A_51, %multiple_of3A_43 : i32
      "tpu.region"() ({
        %run_scoped3A = tpu.sem_alloc : memref<!tpu.dma_semaphore, #tpu.memory_space<semaphore_mem>>
        %dma_start3A_53 = arith.constant 0 : i32
        %dma_start3A_54 = tpu.memref_slice %arg4[%add3A_52, %dma_start3A_53] : memref<32768x128xf32, #tpu.memory_space<hbm>> -> memref<128x128xf32, #tpu.memory_space<hbm>>
        %dma_start3A_55 = arith.constant 0 : i32
        %dma_start3A_56 = tpu.memref_slice %arg4[%add3A_52, %dma_start3A_55] : memref<32768x128xf32, #tpu.memory_space<hbm>> -> memref<128x128xf32, #tpu.memory_space<hbm>>
        tpu.enqueue_dma source(%arg8 : memref<128x128xf32, #tpu.memory_space<vmem>>) target(%dma_start3A_56 : memref<128x128xf32, #tpu.memory_space<hbm>>) target_semaphore(%run_scoped3A : memref<!tpu.dma_semaphore, #tpu.memory_space<semaphore_mem>>)
        %dma_wait3A_57 = arith.constant 0 : i32
        %dma_wait3A_58 = tpu.memref_slice %arg4[%add3A_52, %dma_wait3A_57] : memref<32768x128xf32, #tpu.memory_space<hbm>> -> memref<128x128xf32, #tpu.memory_space<hbm>>
        %dma_wait3A_59 = arith.constant 0 : i32
        %dma_wait3A_60 = tpu.memref_slice %arg4[%add3A_52, %dma_wait3A_59] : memref<32768x128xf32, #tpu.memory_space<hbm>> -> memref<128x128xf32, #tpu.memory_space<hbm>>
        tpu.wait_dma2 semaphore(%run_scoped3A : memref<!tpu.dma_semaphore, #tpu.memory_space<semaphore_mem>>) src(%arg8 : memref<128x128xf32, #tpu.memory_space<vmem>>) dst(%dma_wait3A_60 : memref<128x128xf32, #tpu.memory_space<hbm>>)
        tpu.yield
      }) : () -> ()
    }
    %scan3A_39 = arith.constant 8 : i32
    return
  }
}

#map = affine_map<(d0, d1) -> (0)>
#map1 = affine_map<(d0, d1) -> (0, 0)>
module attributes {stable_mosaic.version = 14 : i64} {
  func.func @node_kernel(%arg0: i32, %arg1: i32, %arg2: memref<196608xi32, #tpu.memory_space<hbm>>, %arg3: memref<2048x64xf32, #tpu.memory_space<hbm>>, %arg4: memref<131072x64xf32, #tpu.memory_space<hbm>>, %arg5: memref<2048xi32, #tpu.memory_space<vmem>>, %arg6: memref<2048xi32, #tpu.memory_space<vmem>>, %arg7: memref<4096xi32, #tpu.memory_space<vmem>>, %arg8: memref<128x64xf32, #tpu.memory_space<vmem>>, %arg9: memref<128x64xf32, #tpu.memory_space<vmem>>, %arg10: memref<!tpu.dma_semaphore, #tpu.memory_space<semaphore_mem>>, %arg11: memref<!tpu.dma_semaphore, #tpu.memory_space<semaphore_mem>>) attributes {dimension_semantics = [#tpu.dimension_semantics<core_parallel>, #tpu.dimension_semantics<subcore_parallel>], iteration_bounds = array<i64: 2, 16>, scalar_prefetch = 0 : i64, scratch_operands = 7 : i64, tpu.core_type = #tpu.core_type<sc_vector_subcore>, window_params = [{transform_indices = #map}, {transform_indices = #map1}, {transform_indices = #map1}]} {
    %mul3A = arith.constant 2 : i32
    %mul3A_0 = arith.muli %arg1, %mul3A : i32
    %add3A = arith.addi %mul3A_0, %arg0 : i32
    %mul3A_1 = arith.constant 2048 : i32
    %mul3A_2 = arith.muli %add3A, %mul3A_1 : i32
    %multiple_of3A = tpu.assume_multiple %mul3A_2, 2048 : i32
    %jit3A = arith.constant 4 : i32
    %div3A = arith.divsi %add3A, %jit3A : i32
    %sign3A = arith.constant 0 : i32
    %sign3A_3 = arith.cmpi sgt, %add3A, %sign3A : i32
    %sign3A_4 = arith.extui %sign3A_3 : i1 to i32
    %sign3A_5 = arith.constant 0 : i32
    %sign3A_6 = arith.cmpi slt, %add3A, %sign3A_5 : i32
    %sign3A_7 = arith.extui %sign3A_6 : i1 to i32
    %sign3A_8 = arith.subi %sign3A_4, %sign3A_7 : i32
    %sign3A_9 = arith.constant 0 : i32
    %sign3A_10 = arith.cmpi sgt, %jit3A, %sign3A_9 : i32
    %sign3A_11 = arith.extui %sign3A_10 : i1 to i32
    %sign3A_12 = arith.constant 0 : i32
    %sign3A_13 = arith.cmpi slt, %jit3A, %sign3A_12 : i32
    %sign3A_14 = arith.extui %sign3A_13 : i1 to i32
    %sign3A_15 = arith.subi %sign3A_11, %sign3A_14 : i32
    %ne3A = arith.cmpi ne, %sign3A_8, %sign3A_15 : i32
    %rem3A = arith.remsi %add3A, %jit3A : i32
    %ne3A_16 = arith.constant 0 : i32
    %ne3A_17 = arith.cmpi ne, %rem3A, %ne3A_16 : i32
    %and3A = arith.andi %ne3A, %ne3A_17 : i1
    %sub3A = arith.constant 1 : i32
    %sub3A_18 = arith.subi %div3A, %sub3A : i32
    %select_n3A = arith.select %and3A, %sub3A_18, %div3A : i32
    %mul3A_19 = arith.constant 256 : i32
    %mul3A_20 = arith.muli %select_n3A, %mul3A_19 : i32
    %add3A_21 = arith.constant 65536 : i32
    %add3A_22 = arith.addi %add3A_21, %multiple_of3A : i32
    "tpu.region"() ({
      %run_scoped3A = tpu.sem_alloc : memref<!tpu.dma_semaphore, #tpu.memory_space<semaphore_mem>>
      %dma_start3A = tpu.memref_slice %arg2[%add3A_22] : memref<196608xi32, #tpu.memory_space<hbm>> -> memref<2048xi32, #tpu.memory_space<hbm>>
      %dma_start3A_39 = tpu.memref_slice %arg2[%add3A_22] : memref<196608xi32, #tpu.memory_space<hbm>> -> memref<2048xi32, #tpu.memory_space<hbm>>
      tpu.enqueue_dma source(%dma_start3A_39 : memref<2048xi32, #tpu.memory_space<hbm>>) target(%arg5 : memref<2048xi32, #tpu.memory_space<vmem>>) target_semaphore(%run_scoped3A : memref<!tpu.dma_semaphore, #tpu.memory_space<semaphore_mem>>)
      %dma_wait3A = tpu.memref_slice %arg2[%add3A_22] : memref<196608xi32, #tpu.memory_space<hbm>> -> memref<2048xi32, #tpu.memory_space<hbm>>
      %dma_wait3A_40 = tpu.memref_slice %arg2[%add3A_22] : memref<196608xi32, #tpu.memory_space<hbm>> -> memref<2048xi32, #tpu.memory_space<hbm>>
      tpu.wait_dma2 semaphore(%run_scoped3A : memref<!tpu.dma_semaphore, #tpu.memory_space<semaphore_mem>>) src(%dma_wait3A_40 : memref<2048xi32, #tpu.memory_space<hbm>>) dst(%arg5 : memref<2048xi32, #tpu.memory_space<vmem>>)
      tpu.yield
    }) : () -> ()
    %add3A_23 = arith.constant 131072 : i32
    %add3A_24 = arith.addi %add3A_23, %multiple_of3A : i32
    "tpu.region"() ({
      %run_scoped3A = tpu.sem_alloc : memref<!tpu.dma_semaphore, #tpu.memory_space<semaphore_mem>>
      %dma_start3A = tpu.memref_slice %arg2[%add3A_24] : memref<196608xi32, #tpu.memory_space<hbm>> -> memref<2048xi32, #tpu.memory_space<hbm>>
      %dma_start3A_39 = tpu.memref_slice %arg2[%add3A_24] : memref<196608xi32, #tpu.memory_space<hbm>> -> memref<2048xi32, #tpu.memory_space<hbm>>
      tpu.enqueue_dma source(%dma_start3A_39 : memref<2048xi32, #tpu.memory_space<hbm>>) target(%arg6 : memref<2048xi32, #tpu.memory_space<vmem>>) target_semaphore(%run_scoped3A : memref<!tpu.dma_semaphore, #tpu.memory_space<semaphore_mem>>)
      %dma_wait3A = tpu.memref_slice %arg2[%add3A_24] : memref<196608xi32, #tpu.memory_space<hbm>> -> memref<2048xi32, #tpu.memory_space<hbm>>
      %dma_wait3A_40 = tpu.memref_slice %arg2[%add3A_24] : memref<196608xi32, #tpu.memory_space<hbm>> -> memref<2048xi32, #tpu.memory_space<hbm>>
      tpu.wait_dma2 semaphore(%run_scoped3A : memref<!tpu.dma_semaphore, #tpu.memory_space<semaphore_mem>>) src(%dma_wait3A_40 : memref<2048xi32, #tpu.memory_space<hbm>>) dst(%arg6 : memref<2048xi32, #tpu.memory_space<vmem>>)
      tpu.yield
    }) : () -> ()
    %iota3A = tpu.iota {dimensions = array<i32: 0>} : vector<16xi32>
    %mul3A_25 = arith.constant 2 : i32
    %mul3A_26 = vector.broadcast %mul3A_25 : i32 to vector<16xi32>
    %mul3A_27 = arith.muli %iota3A, %mul3A_26 : vector<16xi32>
    %scan3A = arith.constant 0 : i32
    %scan3A_28 = arith.constant 0 : i32
    %scan3A_29 = arith.constant 128 : i32
    %scan3A_30 = arith.addi %scan3A_28, %scan3A_29 : i32
    %scan3A_31 = arith.constant 1 : i32
    scf.for %scan3A_39 = %scan3A_28 to %scan3A_30 step %scan3A_31  : i32 {
      %mul3A_40 = arith.constant 16 : i32
      %mul3A_41 = arith.muli %scan3A_39, %mul3A_40 : i32
      %multiple_of3A_42 = tpu.assume_multiple %mul3A_41, 16 : i32
      %mul3A_43 = arith.constant 2 : i32
      %mul3A_44 = arith.muli %mul3A_43, %multiple_of3A_42 : i32
      %add3A_45 = vector.broadcast %mul3A_44 : i32 to vector<16xi32>
      %add3A_46 = arith.addi %mul3A_27, %add3A_45 : vector<16xi32>
      %get3A = arith.index_cast %multiple_of3A_42 : i32 to index
      %get3A_47 = tpu.vector_load %arg5[%get3A] {strides = array<i32>} : memref<2048xi32, #tpu.memory_space<vmem>>, vector<16xi32>,
      %add3A_48 = vector.broadcast %mul3A_20 : i32 to vector<16xi32>
      %add3A_49 = arith.addi %get3A_47, %add3A_48 : vector<16xi32>
      tpu.vector_store_idx %arg7[%add3A_46], %add3A_49 : memref<4096xi32, #tpu.memory_space<vmem>>[vector<16xi32>], vector<16xi32>,
      %add3A_50 = arith.constant 1 : i32
      %add3A_51 = vector.broadcast %add3A_50 : i32 to vector<16xi32>
      %add3A_52 = arith.addi %add3A_46, %add3A_51 : vector<16xi32>
      %get3A_53 = arith.index_cast %multiple_of3A_42 : i32 to index
      %get3A_54 = tpu.vector_load %arg6[%get3A_53] {strides = array<i32>} : memref<2048xi32, #tpu.memory_space<vmem>>, vector<16xi32>,
      %add3A_55 = vector.broadcast %mul3A_20 : i32 to vector<16xi32>
      %add3A_56 = arith.addi %get3A_54, %add3A_55 : vector<16xi32>
      tpu.vector_store_idx %arg7[%add3A_52], %add3A_56 : memref<4096xi32, #tpu.memory_space<vmem>>[vector<16xi32>], vector<16xi32>,
    }
    %scan3A_32 = arith.constant 128 : i32
    %scan3A_33 = arith.constant 0 : i32
    %scan3A_34 = arith.constant 0 : i32
    %scan3A_35 = arith.constant 16 : i32
    %scan3A_36 = arith.addi %scan3A_34, %scan3A_35 : i32
    %scan3A_37 = arith.constant 1 : i32
    scf.for %scan3A_39 = %scan3A_34 to %scan3A_36 step %scan3A_37  : i32 {
      %mul3A_40 = arith.constant 128 : i32
      %mul3A_41 = arith.muli %scan3A_39, %mul3A_40 : i32
      %multiple_of3A_42 = tpu.assume_multiple %mul3A_41, 128 : i32
      %add3A_43 = arith.constant 64 : i32
      %add3A_44 = arith.addi %multiple_of3A_42, %add3A_43 : i32
      %mul3A_45 = arith.constant 2 : i32
      %mul3A_46 = arith.muli %mul3A_45, %multiple_of3A_42 : i32
      %dma_start3A = tpu.memref_slice %arg7[%mul3A_46] : memref<4096xi32, #tpu.memory_space<vmem>> -> memref<128xi32, #tpu.memory_space<vmem>>
      %dma_start3A_47 = arith.constant 0 : i32
      %dma_start3A_48 = arith.constant 0 : i32
      %dma_start3A_49 = tpu.memref_slice %arg3[%dma_start3A_47, %dma_start3A_48] : memref<2048x64xf32, #tpu.memory_space<hbm>> -> memref<2048x64xf32, #tpu.memory_space<hbm>>
      tpu.enqueue_indirect_dma source(%dma_start3A_49 : memref<2048x64xf32, #tpu.memory_space<hbm>>) target(%arg8 : memref<128x64xf32, #tpu.memory_space<vmem>>) offsets(%dma_start3A : memref<128xi32, #tpu.memory_space<vmem>>) semaphore(%arg10 : memref<!tpu.dma_semaphore, #tpu.memory_space<semaphore_mem>>)
      %mul3A_50 = arith.constant 2 : i32
      %mul3A_51 = arith.muli %mul3A_50, %add3A_44 : i32
      %dma_start3A_52 = tpu.memref_slice %arg7[%mul3A_51] : memref<4096xi32, #tpu.memory_space<vmem>> -> memref<128xi32, #tpu.memory_space<vmem>>
      %dma_start3A_53 = arith.constant 0 : i32
      %dma_start3A_54 = arith.constant 0 : i32
      %dma_start3A_55 = tpu.memref_slice %arg3[%dma_start3A_53, %dma_start3A_54] : memref<2048x64xf32, #tpu.memory_space<hbm>> -> memref<2048x64xf32, #tpu.memory_space<hbm>>
      tpu.enqueue_indirect_dma source(%dma_start3A_55 : memref<2048x64xf32, #tpu.memory_space<hbm>>) target(%arg9 : memref<128x64xf32, #tpu.memory_space<vmem>>) offsets(%dma_start3A_52 : memref<128xi32, #tpu.memory_space<vmem>>) semaphore(%arg11 : memref<!tpu.dma_semaphore, #tpu.memory_space<semaphore_mem>>)
      %dma_wait3A = tpu.memref_slice %arg7[%mul3A_46] : memref<4096xi32, #tpu.memory_space<vmem>> -> memref<128xi32, #tpu.memory_space<vmem>>
      %dma_wait3A_56 = arith.constant 0 : i32
      %dma_wait3A_57 = arith.constant 0 : i32
      %dma_wait3A_58 = tpu.memref_slice %arg3[%dma_wait3A_56, %dma_wait3A_57] : memref<2048x64xf32, #tpu.memory_space<hbm>> -> memref<2048x64xf32, #tpu.memory_space<hbm>>
      tpu.wait_indirect_dma semaphore(%arg10 : memref<!tpu.dma_semaphore, #tpu.memory_space<semaphore_mem>>) src(%dma_wait3A_58 : memref<2048x64xf32, #tpu.memory_space<hbm>>) dst(%arg8 : memref<128x64xf32, #tpu.memory_space<vmem>>)
      %add3A_59 = arith.addi %multiple_of3A, %multiple_of3A_42 : i32
      %mul3A_60 = arith.constant 2 : i32
      %mul3A_61 = arith.muli %mul3A_60, %add3A_59 : i32
      "tpu.region"() ({
        %run_scoped3A = tpu.sem_alloc : memref<!tpu.dma_semaphore, #tpu.memory_space<semaphore_mem>>
        %dma_start3A_69 = arith.constant 0 : i32
        %dma_start3A_70 = tpu.memref_slice %arg4[%mul3A_61, %dma_start3A_69] : memref<131072x64xf32, #tpu.memory_space<hbm>> -> memref<128x64xf32, #tpu.memory_space<hbm>>
        %dma_start3A_71 = arith.constant 0 : i32
        %dma_start3A_72 = tpu.memref_slice %arg4[%mul3A_61, %dma_start3A_71] : memref<131072x64xf32, #tpu.memory_space<hbm>> -> memref<128x64xf32, #tpu.memory_space<hbm>>
        tpu.enqueue_dma source(%arg8 : memref<128x64xf32, #tpu.memory_space<vmem>>) target(%dma_start3A_72 : memref<128x64xf32, #tpu.memory_space<hbm>>) target_semaphore(%run_scoped3A : memref<!tpu.dma_semaphore, #tpu.memory_space<semaphore_mem>>)
        %dma_wait3A_73 = arith.constant 0 : i32
        %dma_wait3A_74 = tpu.memref_slice %arg4[%mul3A_61, %dma_wait3A_73] : memref<131072x64xf32, #tpu.memory_space<hbm>> -> memref<128x64xf32, #tpu.memory_space<hbm>>
        %dma_wait3A_75 = arith.constant 0 : i32
        %dma_wait3A_76 = tpu.memref_slice %arg4[%mul3A_61, %dma_wait3A_75] : memref<131072x64xf32, #tpu.memory_space<hbm>> -> memref<128x64xf32, #tpu.memory_space<hbm>>
        tpu.wait_dma2 semaphore(%run_scoped3A : memref<!tpu.dma_semaphore, #tpu.memory_space<semaphore_mem>>) src(%arg8 : memref<128x64xf32, #tpu.memory_space<vmem>>) dst(%dma_wait3A_76 : memref<128x64xf32, #tpu.memory_space<hbm>>)
        tpu.yield
      }) : () -> ()
      %dma_wait3A_62 = tpu.memref_slice %arg7[%mul3A_51] : memref<4096xi32, #tpu.memory_space<vmem>> -> memref<128xi32, #tpu.memory_space<vmem>>
      %dma_wait3A_63 = arith.constant 0 : i32
      %dma_wait3A_64 = arith.constant 0 : i32
      %dma_wait3A_65 = tpu.memref_slice %arg3[%dma_wait3A_63, %dma_wait3A_64] : memref<2048x64xf32, #tpu.memory_space<hbm>> -> memref<2048x64xf32, #tpu.memory_space<hbm>>
      tpu.wait_indirect_dma semaphore(%arg11 : memref<!tpu.dma_semaphore, #tpu.memory_space<semaphore_mem>>) src(%dma_wait3A_65 : memref<2048x64xf32, #tpu.memory_space<hbm>>) dst(%arg9 : memref<128x64xf32, #tpu.memory_space<vmem>>)
      %add3A_66 = arith.addi %multiple_of3A, %add3A_44 : i32
      %mul3A_67 = arith.constant 2 : i32
      %mul3A_68 = arith.muli %mul3A_67, %add3A_66 : i32
      "tpu.region"() ({
        %run_scoped3A = tpu.sem_alloc : memref<!tpu.dma_semaphore, #tpu.memory_space<semaphore_mem>>
        %dma_start3A_69 = arith.constant 0 : i32
        %dma_start3A_70 = tpu.memref_slice %arg4[%mul3A_68, %dma_start3A_69] : memref<131072x64xf32, #tpu.memory_space<hbm>> -> memref<128x64xf32, #tpu.memory_space<hbm>>
        %dma_start3A_71 = arith.constant 0 : i32
        %dma_start3A_72 = tpu.memref_slice %arg4[%mul3A_68, %dma_start3A_71] : memref<131072x64xf32, #tpu.memory_space<hbm>> -> memref<128x64xf32, #tpu.memory_space<hbm>>
        tpu.enqueue_dma source(%arg9 : memref<128x64xf32, #tpu.memory_space<vmem>>) target(%dma_start3A_72 : memref<128x64xf32, #tpu.memory_space<hbm>>) target_semaphore(%run_scoped3A : memref<!tpu.dma_semaphore, #tpu.memory_space<semaphore_mem>>)
        %dma_wait3A_73 = arith.constant 0 : i32
        %dma_wait3A_74 = tpu.memref_slice %arg4[%mul3A_68, %dma_wait3A_73] : memref<131072x64xf32, #tpu.memory_space<hbm>> -> memref<128x64xf32, #tpu.memory_space<hbm>>
        %dma_wait3A_75 = arith.constant 0 : i32
        %dma_wait3A_76 = tpu.memref_slice %arg4[%mul3A_68, %dma_wait3A_75] : memref<131072x64xf32, #tpu.memory_space<hbm>> -> memref<128x64xf32, #tpu.memory_space<hbm>>
        tpu.wait_dma2 semaphore(%run_scoped3A : memref<!tpu.dma_semaphore, #tpu.memory_space<semaphore_mem>>) src(%arg9 : memref<128x64xf32, #tpu.memory_space<vmem>>) dst(%dma_wait3A_76 : memref<128x64xf32, #tpu.memory_space<hbm>>)
        tpu.yield
      }) : () -> ()
    }
    %scan3A_38 = arith.constant 16 : i32
    return
  }
}

#map = affine_map<(d0, d1) -> (0)>
#map1 = affine_map<(d0, d1) -> (0, 0)>
module attributes {stable_mosaic.version = 14 : i64} {
  func.func @edge_kernel(%arg0: i32, %arg1: i32, %arg2: memref<196608xi32, #tpu.memory_space<hbm>>, %arg3: memref<524288x128xf32, #tpu.memory_space<hbm>>, %arg4: memref<32768x128xf32, #tpu.memory_space<hbm>>, %arg5: memref<1024xi32, #tpu.memory_space<vmem>>, %arg6: memref<1024xi32, #tpu.memory_space<vmem>>, %arg7: memref<1024xi32, #tpu.memory_space<vmem>>, %arg8: memref<128x128xf32, #tpu.memory_space<vmem>>, %arg9: memref<!tpu.dma_semaphore, #tpu.memory_space<semaphore_mem>>) attributes {dimension_semantics = [#tpu.dimension_semantics<core_parallel>, #tpu.dimension_semantics<subcore_parallel>], iteration_bounds = array<i64: 2, 16>, scalar_prefetch = 0 : i64, scratch_operands = 5 : i64, tpu.core_type = #tpu.core_type<sc_vector_subcore>, window_params = [{transform_indices = #map}, {transform_indices = #map1}, {transform_indices = #map1}]} {
    %mul3A = arith.constant 2 : i32
    %mul3A_0 = arith.muli %arg1, %mul3A : i32
    %add3A = arith.addi %mul3A_0, %arg0 : i32
    %mul3A_1 = arith.constant 1024 : i32
    %mul3A_2 = arith.muli %add3A, %mul3A_1 : i32
    %add3A_3 = arith.constant 0 : i32
    %add3A_4 = arith.addi %add3A_3, %mul3A_2 : i32
    %multiple_of3A = tpu.assume_multiple %add3A_4, 1024 : i32
    %jit3A = arith.constant 8 : i32
    %div3A = arith.divsi %add3A, %jit3A : i32
    %sign3A = arith.constant 0 : i32
    %sign3A_5 = arith.cmpi sgt, %add3A, %sign3A : i32
    %sign3A_6 = arith.extui %sign3A_5 : i1 to i32
    %sign3A_7 = arith.constant 0 : i32
    %sign3A_8 = arith.cmpi slt, %add3A, %sign3A_7 : i32
    %sign3A_9 = arith.extui %sign3A_8 : i1 to i32
    %sign3A_10 = arith.subi %sign3A_6, %sign3A_9 : i32
    %sign3A_11 = arith.constant 0 : i32
    %sign3A_12 = arith.cmpi sgt, %jit3A, %sign3A_11 : i32
    %sign3A_13 = arith.extui %sign3A_12 : i1 to i32
    %sign3A_14 = arith.constant 0 : i32
    %sign3A_15 = arith.cmpi slt, %jit3A, %sign3A_14 : i32
    %sign3A_16 = arith.extui %sign3A_15 : i1 to i32
    %sign3A_17 = arith.subi %sign3A_13, %sign3A_16 : i32
    %ne3A = arith.cmpi ne, %sign3A_10, %sign3A_17 : i32
    %rem3A = arith.remsi %add3A, %jit3A : i32
    %ne3A_18 = arith.constant 0 : i32
    %ne3A_19 = arith.cmpi ne, %rem3A, %ne3A_18 : i32
    %and3A = arith.andi %ne3A, %ne3A_19 : i1
    %sub3A = arith.constant 1 : i32
    %sub3A_20 = arith.subi %div3A, %sub3A : i32
    %select_n3A = arith.select %and3A, %sub3A_20, %div3A : i32
    %add3A_21 = arith.constant 0 : i32
    %add3A_22 = arith.addi %add3A_21, %select_n3A : i32
    %mul3A_23 = arith.constant 256 : i32
    %mul3A_24 = arith.muli %add3A_22, %mul3A_23 : i32
    %add3A_25 = arith.constant 65536 : i32
    %add3A_26 = arith.addi %add3A_25, %multiple_of3A : i32
    "tpu.region"() ({
      %run_scoped3A = tpu.sem_alloc : memref<!tpu.dma_semaphore, #tpu.memory_space<semaphore_mem>>
      %dma_start3A = tpu.memref_slice %arg2[%add3A_26] : memref<196608xi32, #tpu.memory_space<hbm>> -> memref<1024xi32, #tpu.memory_space<hbm>>
      %dma_start3A_40 = tpu.memref_slice %arg2[%add3A_26] : memref<196608xi32, #tpu.memory_space<hbm>> -> memref<1024xi32, #tpu.memory_space<hbm>>
      tpu.enqueue_dma source(%dma_start3A_40 : memref<1024xi32, #tpu.memory_space<hbm>>) target(%arg5 : memref<1024xi32, #tpu.memory_space<vmem>>) target_semaphore(%run_scoped3A : memref<!tpu.dma_semaphore, #tpu.memory_space<semaphore_mem>>)
      %dma_wait3A = tpu.memref_slice %arg2[%add3A_26] : memref<196608xi32, #tpu.memory_space<hbm>> -> memref<1024xi32, #tpu.memory_space<hbm>>
      %dma_wait3A_41 = tpu.memref_slice %arg2[%add3A_26] : memref<196608xi32, #tpu.memory_space<hbm>> -> memref<1024xi32, #tpu.memory_space<hbm>>
      tpu.wait_dma2 semaphore(%run_scoped3A : memref<!tpu.dma_semaphore, #tpu.memory_space<semaphore_mem>>) src(%dma_wait3A_41 : memref<1024xi32, #tpu.memory_space<hbm>>) dst(%arg5 : memref<1024xi32, #tpu.memory_space<vmem>>)
      tpu.yield
    }) : () -> ()
    %add3A_27 = arith.constant 131072 : i32
    %add3A_28 = arith.addi %add3A_27, %multiple_of3A : i32
    "tpu.region"() ({
      %run_scoped3A = tpu.sem_alloc : memref<!tpu.dma_semaphore, #tpu.memory_space<semaphore_mem>>
      %dma_start3A = tpu.memref_slice %arg2[%add3A_28] : memref<196608xi32, #tpu.memory_space<hbm>> -> memref<1024xi32, #tpu.memory_space<hbm>>
      %dma_start3A_40 = tpu.memref_slice %arg2[%add3A_28] : memref<196608xi32, #tpu.memory_space<hbm>> -> memref<1024xi32, #tpu.memory_space<hbm>>
      tpu.enqueue_dma source(%dma_start3A_40 : memref<1024xi32, #tpu.memory_space<hbm>>) target(%arg6 : memref<1024xi32, #tpu.memory_space<vmem>>) target_semaphore(%run_scoped3A : memref<!tpu.dma_semaphore, #tpu.memory_space<semaphore_mem>>)
      %dma_wait3A = tpu.memref_slice %arg2[%add3A_28] : memref<196608xi32, #tpu.memory_space<hbm>> -> memref<1024xi32, #tpu.memory_space<hbm>>
      %dma_wait3A_41 = tpu.memref_slice %arg2[%add3A_28] : memref<196608xi32, #tpu.memory_space<hbm>> -> memref<1024xi32, #tpu.memory_space<hbm>>
      tpu.wait_dma2 semaphore(%run_scoped3A : memref<!tpu.dma_semaphore, #tpu.memory_space<semaphore_mem>>) src(%dma_wait3A_41 : memref<1024xi32, #tpu.memory_space<hbm>>) dst(%arg6 : memref<1024xi32, #tpu.memory_space<vmem>>)
      tpu.yield
    }) : () -> ()
    %scan3A = arith.constant 0 : i32
    %scan3A_29 = arith.constant 0 : i32
    %scan3A_30 = arith.constant 64 : i32
    %scan3A_31 = arith.addi %scan3A_29, %scan3A_30 : i32
    %scan3A_32 = arith.constant 1 : i32
    scf.for %scan3A_40 = %scan3A_29 to %scan3A_31 step %scan3A_32  : i32 {
      %mul3A_41 = arith.constant 16 : i32
      %mul3A_42 = arith.muli %scan3A_40, %mul3A_41 : i32
      %multiple_of3A_43 = tpu.assume_multiple %mul3A_42, 16 : i32
      %get3A = arith.index_cast %multiple_of3A_43 : i32 to index
      %get3A_44 = tpu.vector_load %arg6[%get3A] {strides = array<i32>} : memref<1024xi32, #tpu.memory_space<vmem>>, vector<16xi32>,
      %get3A_45 = arith.index_cast %multiple_of3A_43 : i32 to index
      %get3A_46 = tpu.vector_load %arg5[%get3A_45] {strides = array<i32>} : memref<1024xi32, #tpu.memory_space<vmem>>, vector<16xi32>,
      %add3A_47 = vector.broadcast %mul3A_24 : i32 to vector<16xi32>
      %add3A_48 = arith.addi %get3A_46, %add3A_47 : vector<16xi32>
      %mul3A_49 = arith.constant 256 : i32
      %mul3A_50 = vector.broadcast %mul3A_49 : i32 to vector<16xi32>
      %mul3A_51 = arith.muli %add3A_48, %mul3A_50 : vector<16xi32>
      %add3A_52 = arith.addi %mul3A_51, %get3A_44 : vector<16xi32>
      %swap3A = arith.index_cast %multiple_of3A_43 : i32 to index
      %swap3A_53 = tpu.vector_load %arg7[%swap3A] {strides = array<i32>} : memref<1024xi32, #tpu.memory_space<vmem>>, vector<16xi32>,
      tpu.vector_store %arg7[%swap3A], %add3A_52 {strides = array<i32>} : memref<1024xi32, #tpu.memory_space<vmem>>, vector<16xi32>,
    }
    %scan3A_33 = arith.constant 64 : i32
    %scan3A_34 = arith.constant 0 : i32
    %scan3A_35 = arith.constant 0 : i32
    %scan3A_36 = arith.constant 8 : i32
    %scan3A_37 = arith.addi %scan3A_35, %scan3A_36 : i32
    %scan3A_38 = arith.constant 1 : i32
    scf.for %scan3A_40 = %scan3A_35 to %scan3A_37 step %scan3A_38  : i32 {
      %mul3A_41 = arith.constant 128 : i32
      %mul3A_42 = arith.muli %scan3A_40, %mul3A_41 : i32
      %multiple_of3A_43 = tpu.assume_multiple %mul3A_42, 128 : i32
      %dma_start3A = tpu.memref_slice %arg7[%multiple_of3A_43] : memref<1024xi32, #tpu.memory_space<vmem>> -> memref<128xi32, #tpu.memory_space<vmem>>
      %dma_start3A_44 = arith.constant 0 : i32
      %dma_start3A_45 = arith.constant 0 : i32
      %dma_start3A_46 = tpu.memref_slice %arg3[%dma_start3A_44, %dma_start3A_45] : memref<524288x128xf32, #tpu.memory_space<hbm>> -> memref<524288x128xf32, #tpu.memory_space<hbm>>
      tpu.enqueue_indirect_dma source(%dma_start3A_46 : memref<524288x128xf32, #tpu.memory_space<hbm>>) target(%arg8 : memref<128x128xf32, #tpu.memory_space<vmem>>) offsets(%dma_start3A : memref<128xi32, #tpu.memory_space<vmem>>) semaphore(%arg9 : memref<!tpu.dma_semaphore, #tpu.memory_space<semaphore_mem>>)
      %dma_wait3A = tpu.memref_slice %arg7[%multiple_of3A_43] : memref<1024xi32, #tpu.memory_space<vmem>> -> memref<128xi32, #tpu.memory_space<vmem>>
      %dma_wait3A_47 = arith.constant 0 : i32
      %dma_wait3A_48 = arith.constant 0 : i32
      %dma_wait3A_49 = tpu.memref_slice %arg3[%dma_wait3A_47, %dma_wait3A_48] : memref<524288x128xf32, #tpu.memory_space<hbm>> -> memref<524288x128xf32, #tpu.memory_space<hbm>>
      tpu.wait_indirect_dma semaphore(%arg9 : memref<!tpu.dma_semaphore, #tpu.memory_space<semaphore_mem>>) src(%dma_wait3A_49 : memref<524288x128xf32, #tpu.memory_space<hbm>>) dst(%arg8 : memref<128x128xf32, #tpu.memory_space<vmem>>)
      %sub3A_50 = arith.constant 0 : i32
      %sub3A_51 = arith.subi %multiple_of3A, %sub3A_50 : i32
      %add3A_52 = arith.addi %sub3A_51, %multiple_of3A_43 : i32
      "tpu.region"() ({
        %run_scoped3A = tpu.sem_alloc : memref<!tpu.dma_semaphore, #tpu.memory_space<semaphore_mem>>
        %dma_start3A_53 = arith.constant 0 : i32
        %dma_start3A_54 = tpu.memref_slice %arg4[%add3A_52, %dma_start3A_53] : memref<32768x128xf32, #tpu.memory_space<hbm>> -> memref<128x128xf32, #tpu.memory_space<hbm>>
        %dma_start3A_55 = arith.constant 0 : i32
        %dma_start3A_56 = tpu.memref_slice %arg4[%add3A_52, %dma_start3A_55] : memref<32768x128xf32, #tpu.memory_space<hbm>> -> memref<128x128xf32, #tpu.memory_space<hbm>>
        tpu.enqueue_dma source(%arg8 : memref<128x128xf32, #tpu.memory_space<vmem>>) target(%dma_start3A_56 : memref<128x128xf32, #tpu.memory_space<hbm>>) target_semaphore(%run_scoped3A : memref<!tpu.dma_semaphore, #tpu.memory_space<semaphore_mem>>)
        %dma_wait3A_57 = arith.constant 0 : i32
        %dma_wait3A_58 = tpu.memref_slice %arg4[%add3A_52, %dma_wait3A_57] : memref<32768x128xf32, #tpu.memory_space<hbm>> -> memref<128x128xf32, #tpu.memory_space<hbm>>
        %dma_wait3A_59 = arith.constant 0 : i32
        %dma_wait3A_60 = tpu.memref_slice %arg4[%add3A_52, %dma_wait3A_59] : memref<32768x128xf32, #tpu.memory_space<hbm>> -> memref<128x128xf32, #tpu.memory_space<hbm>>
        tpu.wait_dma2 semaphore(%run_scoped3A : memref<!tpu.dma_semaphore, #tpu.memory_space<semaphore_mem>>) src(%arg8 : memref<128x128xf32, #tpu.memory_space<vmem>>) dst(%dma_wait3A_60 : memref<128x128xf32, #tpu.memory_space<hbm>>)
        tpu.yield
      }) : () -> ()
    }
    %scan3A_39 = arith.constant 8 : i32
    return
  }
}

module attributes {stable_mosaic.version = 14 : i64} {
  func.func @mm_body(%arg0: i32, %arg1: memref<4096x128xf32, #tpu.memory_space<vmem>>, %arg2: memref<4096x128xf32, #tpu.memory_space<vmem>>, %arg3: memref<192x384xf32, #tpu.memory_space<vmem>>, %arg4: memref<1x384xf32, #tpu.memory_space<vmem>>, %arg5: memref<4096x384xf32, #tpu.memory_space<vmem>>) attributes {dimension_semantics = [#tpu.dimension_semantics<arbitrary>], iteration_bounds = array<i64: 8>, scalar_prefetch = 0 : i64, scratch_operands = 0 : i64, tpu.core_type = #tpu.core_type<tc>, window_params = [{transform_indices = @transform_0, window_bounds = array<i64: 4096, 128>}, {transform_indices = @transform_1, window_bounds = array<i64: 4096, 128>}, {pipeline_mode = #tpu.pipeline_mode<synchronous>, transform_indices = @transform_2, window_bounds = array<i64: 192, 384>}, {pipeline_mode = #tpu.pipeline_mode<synchronous>, transform_indices = @transform_3, window_bounds = array<i64: 1, 384>}, {transform_indices = @transform_4, window_bounds = array<i64: 4096, 384>}]} {
    %get3A = arith.constant 0 : index
    %get3A_0 = arith.constant 0 : index
    %get3A_1 = vector.load %arg3[%get3A, %get3A_0] : memref<192x384xf32, #tpu.memory_space<vmem>>, vector<192x384xf32>
    %get3A_2 = arith.constant 0 : index
    %get3A_3 = arith.constant 0 : index
    %get3A_4 = vector.load %arg1[%get3A_2, %get3A_3] : memref<4096x128xf32, #tpu.memory_space<vmem>>, vector<4096x128xf32>
    %slice3A = vector.extract_strided_slice %get3A_4 {offsets = [0, 0], sizes = [4096, 64], strides = [1, 1]} : vector<4096x128xf32> to vector<4096x64xf32>
    %slice3A_5 = vector.extract_strided_slice %get3A_1 {offsets = [0, 0], sizes = [64, 384], strides = [1, 1]} : vector<192x384xf32> to vector<64x384xf32>
    %dot_general3A = arith.constant dense<0.000000e+00> : vector<4096x384xf32>
    %dot_general3A_6 = tpu.matmul %slice3A, %slice3A_5, %dot_general3A {dimension_numbers = #tpu.dot_dimension_numbers<[1], [0], [0], [1], [0, 0, 1, 1], [], []>, transpose_lhs_hint = false} : vector<4096x64xf32>, vector<64x384xf32>, vector<4096x384xf32> -> vector<4096x384xf32>
    %slice3A_7 = vector.extract_strided_slice %get3A_4 {offsets = [0, 64], sizes = [4096, 64], strides = [1, 1]} : vector<4096x128xf32> to vector<4096x64xf32>
    %slice3A_8 = vector.extract_strided_slice %get3A_1 {offsets = [64, 0], sizes = [64, 384], strides = [1, 1]} : vector<192x384xf32> to vector<64x384xf32>
    %dot_general3A_9 = arith.constant dense<0.000000e+00> : vector<4096x384xf32>
    %dot_general3A_10 = tpu.matmul %slice3A_7, %slice3A_8, %dot_general3A_9 {dimension_numbers = #tpu.dot_dimension_numbers<[1], [0], [0], [1], [0, 0, 1, 1], [], []>, transpose_lhs_hint = false} : vector<4096x64xf32>, vector<64x384xf32>, vector<4096x384xf32> -> vector<4096x384xf32>
    %add3A = arith.addf %dot_general3A_6, %dot_general3A_10 : vector<4096x384xf32>
    %get3A_11 = arith.constant 0 : index
    %get3A_12 = arith.constant 0 : index
    %get3A_13 = vector.load %arg2[%get3A_11, %get3A_12] : memref<4096x128xf32, #tpu.memory_space<vmem>>, vector<4096x64xf32>
    %slice3A_14 = vector.extract_strided_slice %get3A_1 {offsets = [128, 0], sizes = [64, 384], strides = [1, 1]} : vector<192x384xf32> to vector<64x384xf32>
    %dot_general3A_15 = arith.constant dense<0.000000e+00> : vector<4096x384xf32>
    %dot_general3A_16 = tpu.matmul %get3A_13, %slice3A_14, %dot_general3A_15 {dimension_numbers = #tpu.dot_dimension_numbers<[1], [0], [0], [1], [0, 0, 1, 1], [], []>, transpose_lhs_hint = false} : vector<4096x64xf32>, vector<64x384xf32>, vector<4096x384xf32> -> vector<4096x384xf32>
    %add3A_17 = arith.addf %add3A, %dot_general3A_16 : vector<4096x384xf32>
    %get3A_18 = arith.constant 0 : index
    %get3A_19 = arith.constant 0 : index
    %get3A_20 = vector.load %arg4[%get3A_18, %get3A_19] : memref<1x384xf32, #tpu.memory_space<vmem>>, vector<1x384xf32>
    %add3A_21 = vector.broadcast %get3A_20 : vector<1x384xf32> to vector<4096x384xf32>
    %add3A_22 = arith.addf %add3A_17, %add3A_21 : vector<4096x384xf32>
    %swap3A = arith.constant 0 : index
    %swap3A_23 = arith.constant 0 : index
    %swap3A_24 = vector.load %arg5[%swap3A, %swap3A_23] : memref<4096x384xf32, #tpu.memory_space<vmem>>, vector<4096x384xf32>
    tpu.vector_store %arg5[%swap3A, %swap3A_23], %add3A_22 {strides = array<i32>} : memref<4096x384xf32, #tpu.memory_space<vmem>>, vector<4096x384xf32>,
    return
  }
  func.func @transform_0(%arg0: i32) -> (i32, i32) {
    %add3A = arith.constant 0 : i32
    %add3A_0 = arith.addi %add3A, %arg0 : i32
    %c0_i32 = arith.constant 0 : i32
    %c0_i32_1 = arith.constant 0 : i32
    return %add3A_0, %c0_i32 : i32, i32
  }
  func.func @transform_1(%arg0: i32) -> (i32, i32) {
    %c0_i32 = arith.constant 0 : i32
    %c0_i32_0 = arith.constant 0 : i32
    return %arg0, %c0_i32 : i32, i32
  }
  func.func @transform_2(%arg0: i32) -> (i32, i32) {
    %c0_i32 = arith.constant 0 : i32
    %c0_i32_0 = arith.constant 0 : i32
    %c0_i32_1 = arith.constant 0 : i32
    return %c0_i32, %c0_i32_0 : i32, i32
  }
  func.func @transform_3(%arg0: i32) -> (i32, i32) {
    %c0_i32 = arith.constant 0 : i32
    %c0_i32_0 = arith.constant 0 : i32
    %c0_i32_1 = arith.constant 0 : i32
    return %c0_i32, %c0_i32_0 : i32, i32
  }
  func.func @transform_4(%arg0: i32) -> (i32, i32) {
    %add3A = arith.constant 0 : i32
    %add3A_0 = arith.addi %add3A, %arg0 : i32
    %c0_i32 = arith.constant 0 : i32
    %c0_i32_1 = arith.constant 0 : i32
    return %add3A_0, %c0_i32 : i32, i32
  }
}

module attributes {stable_mosaic.version = 14 : i64} {
  func.func @mm_body(%arg0: i32, %arg1: memref<65536x384xf32, #tpu.memory_space<any>>, %arg2: memref<4096x128xf32, #tpu.memory_space<vmem>>, %arg3: memref<4096x128xf32, #tpu.memory_space<vmem>>, %arg4: memref<192x384xf32, #tpu.memory_space<vmem>>, %arg5: memref<1x384xf32, #tpu.memory_space<vmem>>, %arg6: memref<4096x384xf32, #tpu.memory_space<vmem>>) attributes {dimension_semantics = [#tpu.dimension_semantics<arbitrary>], iteration_bounds = array<i64: 8>, scalar_prefetch = 0 : i64, scratch_operands = 0 : i64, tpu.core_type = #tpu.core_type<tc>, window_params = [{}, {transform_indices = @transform_1, window_bounds = array<i64: 4096, 128>}, {transform_indices = @transform_2, window_bounds = array<i64: 4096, 128>}, {pipeline_mode = #tpu.pipeline_mode<synchronous>, transform_indices = @transform_3, window_bounds = array<i64: 192, 384>}, {pipeline_mode = #tpu.pipeline_mode<synchronous>, transform_indices = @transform_4, window_bounds = array<i64: 1, 384>}, {transform_indices = @transform_5, window_bounds = array<i64: 4096, 384>}]} {
    %get3A = arith.constant 0 : index
    %get3A_0 = arith.constant 0 : index
    %get3A_1 = vector.load %arg4[%get3A, %get3A_0] : memref<192x384xf32, #tpu.memory_space<vmem>>, vector<192x384xf32>
    %get3A_2 = arith.constant 0 : index
    %get3A_3 = arith.constant 0 : index
    %get3A_4 = vector.load %arg2[%get3A_2, %get3A_3] : memref<4096x128xf32, #tpu.memory_space<vmem>>, vector<4096x128xf32>
    %slice3A = vector.extract_strided_slice %get3A_4 {offsets = [0, 0], sizes = [4096, 64], strides = [1, 1]} : vector<4096x128xf32> to vector<4096x64xf32>
    %slice3A_5 = vector.extract_strided_slice %get3A_1 {offsets = [0, 0], sizes = [64, 384], strides = [1, 1]} : vector<192x384xf32> to vector<64x384xf32>
    %dot_general3A = arith.constant dense<0.000000e+00> : vector<4096x384xf32>
    %dot_general3A_6 = tpu.matmul %slice3A, %slice3A_5, %dot_general3A {dimension_numbers = #tpu.dot_dimension_numbers<[1], [0], [0], [1], [0, 0, 1, 1], [], []>, transpose_lhs_hint = false} : vector<4096x64xf32>, vector<64x384xf32>, vector<4096x384xf32> -> vector<4096x384xf32>
    %slice3A_7 = vector.extract_strided_slice %get3A_4 {offsets = [0, 64], sizes = [4096, 64], strides = [1, 1]} : vector<4096x128xf32> to vector<4096x64xf32>
    %slice3A_8 = vector.extract_strided_slice %get3A_1 {offsets = [64, 0], sizes = [64, 384], strides = [1, 1]} : vector<192x384xf32> to vector<64x384xf32>
    %dot_general3A_9 = arith.constant dense<0.000000e+00> : vector<4096x384xf32>
    %dot_general3A_10 = tpu.matmul %slice3A_7, %slice3A_8, %dot_general3A_9 {dimension_numbers = #tpu.dot_dimension_numbers<[1], [0], [0], [1], [0, 0, 1, 1], [], []>, transpose_lhs_hint = false} : vector<4096x64xf32>, vector<64x384xf32>, vector<4096x384xf32> -> vector<4096x384xf32>
    %add3A = arith.addf %dot_general3A_6, %dot_general3A_10 : vector<4096x384xf32>
    %get3A_11 = arith.constant 0 : index
    %get3A_12 = arith.constant 0 : index
    %get3A_13 = vector.load %arg3[%get3A_11, %get3A_12] : memref<4096x128xf32, #tpu.memory_space<vmem>>, vector<4096x64xf32>
    %slice3A_14 = vector.extract_strided_slice %get3A_1 {offsets = [128, 0], sizes = [64, 384], strides = [1, 1]} : vector<192x384xf32> to vector<64x384xf32>
    %dot_general3A_15 = arith.constant dense<0.000000e+00> : vector<4096x384xf32>
    %dot_general3A_16 = tpu.matmul %get3A_13, %slice3A_14, %dot_general3A_15 {dimension_numbers = #tpu.dot_dimension_numbers<[1], [0], [0], [1], [0, 0, 1, 1], [], []>, transpose_lhs_hint = false} : vector<4096x64xf32>, vector<64x384xf32>, vector<4096x384xf32> -> vector<4096x384xf32>
    %add3A_17 = arith.addf %add3A, %dot_general3A_16 : vector<4096x384xf32>
    %get3A_18 = arith.constant 0 : index
    %get3A_19 = arith.constant 0 : index
    %get3A_20 = vector.load %arg5[%get3A_18, %get3A_19] : memref<1x384xf32, #tpu.memory_space<vmem>>, vector<1x384xf32>
    %add3A_21 = vector.broadcast %get3A_20 : vector<1x384xf32> to vector<4096x384xf32>
    %add3A_22 = arith.addf %add3A_17, %add3A_21 : vector<4096x384xf32>
    %swap3A = arith.constant 0 : index
    %swap3A_23 = arith.constant 0 : index
    %swap3A_24 = vector.load %arg6[%swap3A, %swap3A_23] : memref<4096x384xf32, #tpu.memory_space<vmem>>, vector<4096x384xf32>
    tpu.vector_store %arg6[%swap3A, %swap3A_23], %add3A_22 {strides = array<i32>} : memref<4096x384xf32, #tpu.memory_space<vmem>>, vector<4096x384xf32>,
    return
  }
  func.func @transform_1(%arg0: i32) -> (i32, i32) {
    %add3A = arith.constant 8 : i32
    %add3A_0 = arith.addi %add3A, %arg0 : i32
    %c0_i32 = arith.constant 0 : i32
    %c0_i32_1 = arith.constant 0 : i32
    return %add3A_0, %c0_i32 : i32, i32
  }
  func.func @transform_2(%arg0: i32) -> (i32, i32) {
    %c0_i32 = arith.constant 0 : i32
    %c0_i32_0 = arith.constant 0 : i32
    return %arg0, %c0_i32 : i32, i32
  }
  func.func @transform_3(%arg0: i32) -> (i32, i32) {
    %c0_i32 = arith.constant 0 : i32
    %c0_i32_0 = arith.constant 0 : i32
    %c0_i32_1 = arith.constant 0 : i32
    return %c0_i32, %c0_i32_0 : i32, i32
  }
  func.func @transform_4(%arg0: i32) -> (i32, i32) {
    %c0_i32 = arith.constant 0 : i32
    %c0_i32_0 = arith.constant 0 : i32
    %c0_i32_1 = arith.constant 0 : i32
    return %c0_i32, %c0_i32_0 : i32, i32
  }
  func.func @transform_5(%arg0: i32) -> (i32, i32) {
    %add3A = arith.constant 8 : i32
    %add3A_0 = arith.addi %add3A, %arg0 : i32
    %c0_i32 = arith.constant 0 : i32
    %c0_i32_1 = arith.constant 0 : i32
    return %add3A_0, %c0_i32 : i32, i32
  }
}

</mosaic_0001>

<sc_bundles>
// kernel: kernel.10.cloned.1.call-start
scs
__scs_entry_jumppad:
0x0: {  	(pc) =	sbr.rel $0x88, $3  }
0x1: {  	(tag) =	ssettag $0x0;
	lr =	simm.s32 $0x1  }
0x2: {  	[smem:$0x3F9C] =	sst lr;
	_ =	strace $0xD0000000  }
0x3: {  	_ = 	snop  }
0x4: {  	_ = 	snop  }
0x5: {  	_ = 	snop  }
0x6: {  	_ = 	snop  }
0x7: {  	_ = 	snop  }
__scs_overlays_trampoline_lowered:
0x8: {  	[smem:$0x3FAB] =	sst s0  }
0x9: {  	[smem:$0x3FAC] =	sst s1  }
0xa: {  	[smem:$0x3FAD] =	sst s2  }
0xb: {  	[smem:$0x3FAE] =	sst s3  }
0xc: {  	[smem:$0x3FAF] =	sst s4  }
0xd: {  	[smem:$0x3FB0] =	sst s5  }
0xe: {  	[smem:$0x3FB1] =	sst s6  }
0xf: {  	[smem:$0x3FB2] =	sst s7  }
0x10: {  	[smem:$0x3FB3] =	sst s8  }
0x11: {  	[smem:$0x3FB4] =	sst s9;
	s0 =	simm.s32 @!p0 $0x0  }
0x12: {  	s1 =	sld [smem:$0x3F9A];
	s0 =	simm.s32 @p0 $0x1  }
0x13: {  	[smem:$0x3FB5] =	sst s0;
	s0 =	simm.s32 @!p1 $0x0  }
0x14: {  	s2 =	sld [smem:$0x3F99];
	s0 =	simm.s32 @p1 $0x1  }
0x15: {  	[smem:$0x3FB6] =	sst s0;
	s0 =	simm.s32 @!p2 $0x0  }
0x16: {  	s3 =	sld [smem:$0x3FDB];
	s0 =	simm.s32 @p2 $0x1  }
0x17: {  	s4 =	simm.s32 $0x1BF5;
	[smem:$0x3FB8] =	sst s0  }
0x18: {  	s0 =	sld [smem:$0x3F9B];
	_ =	swait.ge [sflag:s4], $0x0  }
0x19: {  	s7 =	sld [smem:$0x3F9C]  }
0x1a: {  	s8 =	sadd.s32 $0xFFFFE003, lr  }
0x1b: {  	s9 =	sadd.s32 $0xFFFFFEF7, lr;
	s5 =	simm.s32 $0xFFFFFFFF;
	p2 =	slt.u32 s8, $0xFFFFF086  }
0x1c: {  	p1 =	slt.u32 s9, $0xF7A;
	s5 =	simm.s32 @!p2 $0x0  }
0x1d: {  	s5 =	simm.s32 @p1 $0x1;
	p0 =	seq.s32 s7, s2  }
0x1e: {  	s7 =	smul.u32 @!p0 $0xF7A, s2;
	p2 =	seq.s32 @!p0 s5, $0x0  }
0x1f: {  	s9 =	smul.u32 $0xF7A, s1;
	s8 =	simm.s32 @!p0 $0x1BF5;
	p2 =	por !p2, p0  }
0x20: {  	[sflag:s8] =	ssyncset.s32 @!p0 $0xFFFFF086;
	s6 =	sadd.s32 @!p0 s3, s7;
	s7 =	simm.s32 @!p0 $0x108  }
0x21: {  	s3 =	sadd.s32 s3, s9;
	s6 =	sadd.s32 @!p0 $0x88, s6;
	s7 =	simm.s32 @p2 $0x1082  }
0x22: {  	[simem:s7], [sflag:s8] =	dma.local @!p0 [hbm:s6], $0xF7A  }
0x23: {  	s9 =	sor.u32 $0xD0000000, s2;
	s6 =	simm.s32 $0x108;
	_ =	swait.ge @!p0 [sflag:s8], $0x0  }
0x24: {  	s3 =	sadd.s32 $0x88, s3;
	s6 =	simm.s32 @!p1 $0x1082;
	[sflag:s4] =	ssyncset.s32 $0xFFFFF086  }
0x25: {  	[simem:s6], [sflag:s4] =	dma.local [hbm:s3], $0xF7A  }
0x26: {  	[smem:$0x3F9C] =	sst s1;
	(tag) =	ssettag s2;
	_ =	strace s9  }
0x27: {  	s1 =	sld [smem:$0x3FAC]  }
0x28: {  	s2 =	sld [smem:$0x3FAD]  }
0x29: {  	s4 =	sld [smem:$0x3FAF]  }
0x2a: {  	p0 =	seq.s32 s5, $0x0;
	s5 =	sld [smem:$0x3FB0]  }
0x2b: {  	s6 =	sld [smem:$0x3FB1]  }
0x2c: {  	s7 =	sld [smem:$0x3FB2]  }
0x2d: {  	s3 =	simm.s32 $0x108;
	s8 =	sld [smem:$0x3FB3]  }
0x2e: {  	s3 =	simm.s32 @!p0 $0x1082;
	s9 =	sld [smem:$0x3FB4]  }
0x2f: {  	lr =	sadd.s32 s0, s3;
	s0 =	sld [smem:$0x3FAB]  }
0x30: {  	s3 =	sld [smem:$0x3FAE]  }
0x31: {  	[smem:$0x3FB7] =	sst s10  }
0x32: {  	s10 =	sld [smem:$0x3FB5];
	_ =	sdelay $0x3  }
0x33: {  	p0 =	seq.s32 s10, $0x1;
	s10 =	sld [smem:$0x3FB7];
	_ =	sdelay $0x3  }
0x34: {  	[smem:$0x3FB7] =	sst s10  }
0x35: {  	s10 =	sld [smem:$0x3FB6];
	_ =	sdelay $0x3  }
0x36: {  	p1 =	seq.s32 s10, $0x1;
	s10 =	sld [smem:$0x3FB7];
	_ =	sdelay $0x3  }
0x37: {  	[smem:$0x3FB7] =	sst s10  }
0x38: {  	s10 =	sld [smem:$0x3FB8]  }
0x39: {  	_ = 	snop;
	(pc) =	sbr.ind lr, $3  }
0x3a: {  	_ = 	snop  }
0x3b: {  	_ = 	snop  }
0x3c: {  	p2 =	seq.s32 s10, $0x1;
	s10 =	sld [smem:$0x3FB7]  }
0x3d: {  	_ =	shalt  }
0x3e: {  	_ =	shalt  }
0x3f: {  	_ =	shalt  }
0x40: {  	_ =	shalt  }
0x41: {  	_ =	shalt  }
0x42: {  	_ =	shalt  }
0x43: {  	_ =	shalt  }
0x44: {  	_ =	shalt  }
0x45: {  	_ =	shalt  }
0x46: {  	_ =	shalt  }
0x47: {  	_ =	shalt  }
0x48: {  	_ =	shalt  }
0x49: {  	_ =	shalt  }
0x4a: {  	_ =	shalt  }
0x4b: {  	_ =	shalt  }
0x4c: {  	_ =	shalt  }
0x4d: {  	_ =	shalt  }
0x4e: {  	_ =	shalt  }
0x4f: {  	_ =	shalt  }
0x50: {  	_ =	shalt  }
0x51: {  	_ =	shalt  }
0x52: {  	_ =	shalt  }
0x53: {  	_ =	shalt  }
0x54: {  	_ =	shalt  }
0x55: {  	_ =	shalt  }
0x56: {  	_ =	shalt  }
0x57: {  	_ =	shalt  }
0x58: {  	_ =	shalt  }
0x59: {  	_ =	shalt  }
0x5a: {  	_ =	shalt  }
0x5b: {  	_ =	shalt  }
0x5c: {  	_ =	shalt  }
0x5d: {  	_ =	shalt  }
0x5e: {  	_ =	shalt  }
0x5f: {  	_ =	shalt  }
0x60: {  	_ =	shalt  }
0x61: {  	_ =	shalt  }
0x62: {  	_ =	shalt  }
0x63: {  	_ =	shalt  }
0x64: {  	_ =	shalt  }
0x65: {  	_ =	shalt  }
0x66: {  	_ =	shalt  }
0x67: {  	_ =	shalt  }
0x68: {  	_ =	shalt  }
0x69: {  	_ =	shalt  }
0x6a: {  	_ =	shalt  }
0x6b: {  	_ =	shalt  }
0x6c: {  	_ =	shalt  }
0x6d: {  	_ =	shalt  }
0x6e: {  	_ =	shalt  }
0x6f: {  	_ =	shalt  }
0x70: {  	_ =	shalt  }
0x71: {  	_ =	shalt  }
0x72: {  	_ =	shalt  }
0x73: {  	_ =	shalt  }
0x74: {  	_ =	shalt  }
0x75: {  	_ =	shalt  }
0x76: {  	_ =	shalt  }
0x77: {  	_ =	shalt  }
0x78: {  	_ =	shalt  }
0x79: {  	_ =	shalt  }
0x7a: {  	_ =	shalt  }
0x7b: {  	_ =	shalt  }
0x7c: {  	_ =	shalt  }
0x7d: {  	_ =	shalt  }
0x7e: {  	_ =	shalt  }
0x7f: {  	_ =	shalt  }
0x80: {  	_ =	shalt  }
0x81: {  	_ =	shalt  }
0x82: {  	_ =	shalt  }
0x83: {  	_ =	shalt  }
0x84: {  	_ =	shalt  }
0x85: {  	_ =	shalt  }
0x86: {  	_ =	shalt  }
0x87: {  	_ =	shalt  }
.Lfunc_end0:
.L_simem_size_0:
called_computation.1_lowered:
.L_overlay_start_0:
0x88: {  	s2 =	sld [smem:$0x3FD9]  }
0x89: {  	s3 =	sld [smem:$0x3FFE];
	_ =	sdelay $0x1  }
0x8a: {  	s1 =	srdreg.scid  }
0x8b: {  	s0 =	sand.u32 $0x1, s1  }
0x8c: {  	s17 =	sshll.u32 s0, $0xA;
	s2 =	sadd.s32 s3, s2  }
0x8d: {  	s2 =	sadd.s32 s2, s17  }
0x8e: {  	[smem:$0x3FC3] =	sst s2  }
0x8f: {  	_ = 	snop  }
0x90: {  	s2 =	sld [smem:$0x3FD0];
	(tm) =	ssettm $0x1  }
0x91: {  	s18 =	sld [smem:$0x3FFB];
	_ =	sdelay $0x3  }
0x92: {  	_ =	strace s18  }
0x93: {  	s3 =	sld [smem:$0x3FFC];
	_ =	sdelay $0x3  }
0x94: {  	_ =	strace s3  }
0x95: {  	s3 =	sld [smem:$0x3FFD];
	_ =	sdelay $0x3  }
0x96: {  	_ =	strace s3  }
0x97: {  	_ =	strace $0x8FFFFFFF  }
0x98: {  	s19 =	sld [smem:$0x3FDB];
	_ =	sdelay $0x1  }
0x99: {  	s4 =	simm.s32 $_scs_section_size  }
0x9a: {  	s5 =	simm.s32 $_size__tile_overlayer_lowered;
	s6 =	simm.s32 $_tile_overlayer_lowered  }
0x9b: {  	s22 =	simm.s32 $0x1BFF;
	s21 =	sshll.u32 s6, $0x1;
	s3 =	sadd.s32 s4, s19  }
0x9c: {  	s7 =	simm.s32 $0x0;
	s20 =	sshll.u32 s5, $0x1;
	s5 =	sadd.s32 s21, s3  }
0x9d: {  	[timem:s7], [sflag:s22] =	dma.local [hbm:s5], s20  }
0x9e: {  	_ =	swait.ge [sflag:s22], s20  }
0x9f: {  	s4 =	ssub.s32 $0x0, s20;
	[sflag:s22] =	ssyncset.done $0x0  }
0xa0: {  	[sflag:s22] =	ssyncadd.s32 s4;
	_ =	sdelay $0x1  }
0xa1: {  	s23 =	simm.s32 $0x1B8B  }
0xa2: {  	_ =	swait.ge [sflag:s23], $0x1  }
0xa3: {  	[sflag:s23] =	ssyncset.done $0x0  }
0xa4: {  	s25 =	simm.s32 $0x1B8E;
	s24 =	sld [smem:$0x3FFE];
	[sflag:s23] =	ssyncadd.s32 $0xFFFFFFFF  }
0xa5: {  	s26 =	simm.s32 $execute0_lowered;
	[smem:$0x3FD2] =	sst s25  }
0xa6: {  	s5 =	sshll.u32 s26, $0x1;
	_ =	strace $0x80000046;
	[dreg:$0x1] =	wrdreg $0xFFFFFFFF  }
0xa7: {  	s28 =	simm.s32 $_size_execute0_lowered;
	s3 =	sadd.s32 s3, s5;
	[dreg:$0x0] =	wrdreg $0x0  }
0xa8: {  	s5 =	sshll.u32 s28, $0x1;
	[dreg:$0x2] =	wrdreg s3  }
0xa9: {  	[dreg:$0x3] =	wrdreg s5  }
0xaa: {  	[dreg:$0x4] =	wrdreg $0xC0  }
0xab: {  	_ =	task [dreg:s7], $0x5FFFF  }
0xac: {  	[dreg:$0x1] =	wrdreg $0xFFFFFFFF  }
0xad: {  	[dreg:$0x0] =	wrdreg $0x60  }
0xae: {  	[dreg:$0x2] =	wrdreg s24  }
0xaf: {  	[dreg:$0x3] =	wrdreg s2  }
0xb0: {  	[dreg:$0x4] =	wrdreg $0xA  }
0xb1: {  	_ =	task.clear_ibuf [dreg:s7], $0x5FFFF;
	_ =	strace $0x90000046  }
0xb2: {  	s29 =	simm.s32 $0xA;
	_ =	strace $0x80000048  }
0xb3: {  	_ =	swait.ge [sflag:s29], $0x1  }
0xb4: {  	[sflag:s29] =	ssyncadd.s32 $0xFFFFFFFF  }
0xb5: {  	_ =	strace $0x90000048  }
0xb6: {  	_ =	sfence  }
0xb7: {  	s30 =	sld [smem:$0x0];
	_ =	sdelay $0x2  }
0xb8: {  	s31 =	sshll.u32 s1, $0xD;
	s1 =	sshrl.u32 s1, $0x2  }
0xb9: {  	s3 =	sand.u32 $0x4000, s31;
	s1 =	sadd.s32 s1, s30  }
0xba: {  	s0 =	sor.u32 s3, s0;
	s1 =	sshll.u32 s1, $0x11  }
0xbb: {  	s0 =	sor.u32 s1, s0  }
0xbc: {  	s0 =	sadd.s32 $0x8F2B, s0  }
0xbd: {  	[sflag:s0] =	ssyncadd.remote.s32 $0x1  }
0xbe: {  	_ =	sfence.sel $0xFFFF  }
0xbf: {  	[dreg:$0x0] =	wrdreg $0xFFFFFFFF;
	(pc) =	sbr.abs _section_cstart, $3  }
0xc0: {  	[dreg:$0x1] =	wrdreg $0xFFFFFFFF  }
0xc1: {  	_ =	task.clear_ibuf [dreg:s7], $0x2FFFF;
	_ =	strace $0x9FFFFFFF  }
0xc2: {  	(tm) =	ssettm $0x7FFFFFFF  }
0xc3: {  	_ =	shalt  }
tec
execute0_lowered:
.L_overlay_start_1:
0x0: {  	(tag) =	ssettag $0x1  }
0x1: {  	s1 =	srdreg.scid  }
0x2: {  	s3 =	rddreg [dreg:$0x0];
	s0 =	stileid.u32  }
0x3: {  	s7 =	rddreg [dreg:$0x1];
	s2 =	simm.s32 $0x0;
	s15 =	simm.s32 $0x2  }
0x4: {  	s16 =	simm.s32 $0x400;
	s17 =	simm.s32 $0x80;
	s18 =	simm.s32 $0x800  }
0x5: {  	s19 =	simm.s32 $0xC00;
	s20 =	simm.s32 $0x1;
	s21 =	simm.s32 $0x880  }
0x6: {  	s22 =	simm.s32 $0x900;
	s23 =	simm.s32 $0x980;
	s24 =	simm.s32 $0xA00  }
0x7: {  	s25 =	simm.s32 $0xA80;
	s28 =	simm.s32 $0xB80;
	s29 =	simm.s32 $0x0  }
0x8: {  	s4 =	sand.u32 $0x1, s1;
	s5 =	sshll.u32 s0, $0xB;
	[smem:$0x7FF] =	sst s2  }
0x9: {  	s31 =	sshll.u32 s0, $0x6;
	s6 =	sshll.u32 s4, $0xA;
	s4 =	ssub.s32 $0x2, s4  }
0xa: {  	_ =	strace $0x80000047;
	s26 =	sand.u32 $0x300, s31;
	s5 =	sor.u32 s6, s5  }
0xb: {  	s8 =	sshrl.u32 s4, $0x1;
	v0 =	vmov s26;
	s26 =	simm.s32 $0xB00;
	s6 =	sshrl.u32 s5, $0x3  }
0xc: {  	s8 =	ssub.s32 s4, s8;
	s9 =	sshll.u32 s5, $0x4;
	s6 =	sadd.s32 s6, s3  }
0xd: {  	s3 =	sadd.s32 $0x807600, s3;
	s7 =	sadd.s32 s7, s9;
	s4 =	sadd.s32 $0x3600, s6  }
0xe: {  	s5 =	sadd.s32 $0x5600, s6;
	s6 =	smax.u32 s8, $0x1;
	s8 =	sadd.s32 $0x800, s7  }
0xf: {  	s9 =	sadd.s32 $0x1000, s7;
	s10 =	sadd.s32 $0x1800, s7;
	s11 =	sadd.s32 $0x2000, s7  }
0x10: {  	s12 =	sadd.s32 $0x2800, s7;
	s13 =	sadd.s32 $0x3000, s7;
	s14 =	sadd.s32 $0x3800, s7  }
.LBB2_1:
0x11: {  	[tilespmem:s2], [sflag:$0x2] =	stream.linear.gather [hbm4b:s4+s2], $0x400, $0x38;
	[tilespmem:$0x4C00] =	vst v63  }
0x12: {  	_ =	swait.ge [sflag:s15], $0x400  }
0x13: {  	[sflag:s15] =	ssyncset.done $0x0  }
0x14: {  	[sflag:s15] =	ssyncadd.s32 $0xFFFFFC00  }
0x15: {  	[tilespmem:s16], [sflag:$0x2] =	stream.linear.gather [hbm4b:s5+s2], $0x400, $0x38;
	[tilespmem:$0x4C00] =	vst v63  }
0x16: {  	_ =	swait.ge [sflag:s15], $0x400  }
0x17: {  	[sflag:s15] =	ssyncset.done $0x0  }
0x18: {  	s30 =	simm.s32 $0x0;
	[sflag:s15] =	ssyncadd.s32 $0xFFFFFC00  }
0x19: {  	v1 =	vld [tilespmem:s30+$0x0]  }
0x1a: {  	s31 =	simm.s32 $0x40;
	v2 =	vld [tilespmem:s30+$0x400]  }
.LBB2_2:
0x1b: {  	_ = 	snop  }
0x1c: {  	p0 =	sne.s32 s31, $0xFC0  }
.Ltmp0:
0x1d: {  	_ = 	snop;
	(pc) =	sbr.rel @p0 .LBB2_2-.Ltmp0, $4  }
0x1e: {  	v3 =	vadd.s32 v0, v1  }
0x1f: {  	s1 =	sshra.s32 s31, $0x2;
	v3 =	vshll.u32 v3, $0x8  }
0x20: {  	v1 =	vld [tilespmem:s1+$0x0];
	v3 =	vadd.s32 v2, v3  }
0x21: {  	s31 =	sadd.s32 $0x40, s31;
	v2 =	vld [tilespmem:s1+$0x400];
	[tilespmem:s30+$0x800] =	vst v3;
	s30 =	smov.u32 s1  }
0x22: {  	_ =	sdelay $0x2  }
0x23: {  	v1 =	vadd.s32 v0, v1  }
0x24: {  	v1 =	vshll.u32 v1, $0x8  }
0x25: {  	v1 =	vadd.s32 v2, v1  }
0x26: {  	[tilespmem:s30+$0x800] =	vst v1  }
0x27: {  	[tilespmem:s19], [sflag:$0x1] =	stream.indirect.gather [hbm4b:s3+s17], $0x80, s18, s17, $0xb8;
	[tilespmem:$0x4C00] =	vst v63  }
0x28: {  	_ =	swait.ge [sflag:s20], $0x4000  }
0x29: {  	[sflag:s20] =	ssyncset.done $0x0  }
0x2a: {  	[sflag:s20] =	ssyncadd.s32 $0xFFFFC000  }
0x2b: {  	[hbm4b:s7+s2] =	stream.linear.scatter [tilespmem:s19], [sflag:$0x2], $0x4000, $0x38;
	[tilespmem:$0x4C00] =	vst v63  }
0x2c: {  	_ =	swait.ge [sflag:s15], $0x4000  }
0x2d: {  	[sflag:s15] =	ssyncset.done $0x0  }
0x2e: {  	[sflag:s15] =	ssyncadd.s32 $0xFFFFC000  }
0x2f: {  	[tilespmem:s19], [sflag:$0x1] =	stream.indirect.gather [hbm4b:s3+s17], $0x80, s21, s17, $0xb8;
	[tilespmem:$0x4C00] =	vst v63  }
0x30: {  	_ =	swait.ge [sflag:s20], $0x4000  }
0x31: {  	[sflag:s20] =	ssyncset.done $0x0  }
0x32: {  	[sflag:s20] =	ssyncadd.s32 $0xFFFFC000  }
0x33: {  	[hbm4b:s8+s2] =	stream.linear.scatter [tilespmem:s19], [sflag:$0x2], $0x4000, $0x38;
	[tilespmem:$0x4C00] =	vst v63  }
0x34: {  	_ =	swait.ge [sflag:s15], $0x4000  }
0x35: {  	[sflag:s15] =	ssyncset.done $0x0  }
0x36: {  	[sflag:s15] =	ssyncadd.s32 $0xFFFFC000  }
0x37: {  	[tilespmem:s19], [sflag:$0x1] =	stream.indirect.gather [hbm4b:s3+s17], $0x80, s22, s17, $0xb8;
	[tilespmem:$0x4C00] =	vst v63  }
0x38: {  	_ =	swait.ge [sflag:s20], $0x4000  }
0x39: {  	[sflag:s20] =	ssyncset.done $0x0  }
0x3a: {  	[sflag:s20] =	ssyncadd.s32 $0xFFFFC000  }
0x3b: {  	[hbm4b:s9+s2] =	stream.linear.scatter [tilespmem:s19], [sflag:$0x2], $0x4000, $0x38;
	[tilespmem:$0x4C00] =	vst v63  }
0x3c: {  	_ =	swait.ge [sflag:s15], $0x4000  }
0x3d: {  	[sflag:s15] =	ssyncset.done $0x0  }
0x3e: {  	[sflag:s15] =	ssyncadd.s32 $0xFFFFC000  }
0x3f: {  	[tilespmem:s19], [sflag:$0x1] =	stream.indirect.gather [hbm4b:s3+s17], $0x80, s23, s17, $0xb8;
	[tilespmem:$0x4C00] =	vst v63  }
0x40: {  	_ =	swait.ge [sflag:s20], $0x4000  }
0x41: {  	[sflag:s20] =	ssyncset.done $0x0  }
0x42: {  	[sflag:s20] =	ssyncadd.s32 $0xFFFFC000  }
0x43: {  	[hbm4b:s10+s2] =	stream.linear.scatter [tilespmem:s19], [sflag:$0x2], $0x4000, $0x38;
	[tilespmem:$0x4C00] =	vst v63  }
0x44: {  	_ =	swait.ge [sflag:s15], $0x4000  }
0x45: {  	[sflag:s15] =	ssyncset.done $0x0  }
0x46: {  	[sflag:s15] =	ssyncadd.s32 $0xFFFFC000  }
0x47: {  	[tilespmem:s19], [sflag:$0x1] =	stream.indirect.gather [hbm4b:s3+s17], $0x80, s24, s17, $0xb8;
	[tilespmem:$0x4C00] =	vst v63  }
0x48: {  	_ =	swait.ge [sflag:s20], $0x4000  }
0x49: {  	[sflag:s20] =	ssyncset.done $0x0  }
0x4a: {  	[sflag:s20] =	ssyncadd.s32 $0xFFFFC000  }
0x4b: {  	[hbm4b:s11+s2] =	stream.linear.scatter [tilespmem:s19], [sflag:$0x2], $0x4000, $0x38;
	[tilespmem:$0x4C00] =	vst v63  }
0x4c: {  	_ =	swait.ge [sflag:s15], $0x4000  }
0x4d: {  	[sflag:s15] =	ssyncset.done $0x0  }
0x4e: {  	[sflag:s15] =	ssyncadd.s32 $0xFFFFC000  }
0x4f: {  	[tilespmem:s19], [sflag:$0x1] =	stream.indirect.gather [hbm4b:s3+s17], $0x80, s25, s17, $0xb8;
	[tilespmem:$0x4C00] =	vst v63  }
0x50: {  	_ =	swait.ge [sflag:s20], $0x4000  }
0x51: {  	[sflag:s20] =	ssyncset.done $0x0  }
0x52: {  	[sflag:s20] =	ssyncadd.s32 $0xFFFFC000  }
0x53: {  	[hbm4b:s12+s2] =	stream.linear.scatter [tilespmem:s19], [sflag:$0x2], $0x4000, $0x38;
	[tilespmem:$0x4C00] =	vst v63  }
0x54: {  	_ =	swait.ge [sflag:s15], $0x4000  }
0x55: {  	[sflag:s15] =	ssyncset.done $0x0  }
0x56: {  	[sflag:s15] =	ssyncadd.s32 $0xFFFFC000  }
0x57: {  	[tilespmem:s19], [sflag:$0x1] =	stream.indirect.gather [hbm4b:s3+s17], $0x80, s26, s17, $0xb8;
	[tilespmem:$0x4C00] =	vst v63  }
0x58: {  	_ =	swait.ge [sflag:s20], $0x4000  }
0x59: {  	[sflag:s20] =	ssyncset.done $0x0  }
0x5a: {  	[sflag:s20] =	ssyncadd.s32 $0xFFFFC000  }
0x5b: {  	[hbm4b:s13+s2] =	stream.linear.scatter [tilespmem:s19], [sflag:$0x2], $0x4000, $0x38;
	[tilespmem:$0x4C00] =	vst v63  }
0x5c: {  	_ =	swait.ge [sflag:s15], $0x4000  }
0x5d: {  	[sflag:s15] =	ssyncset.done $0x0  }
0x5e: {  	[sflag:s15] =	ssyncadd.s32 $0xFFFFC000  }
0x5f: {  	[tilespmem:s19], [sflag:$0x1] =	stream.indirect.gather [hbm4b:s3+s17], $0x80, s28, s17, $0xb8;
	[tilespmem:$0x4C00] =	vst v63  }
0x60: {  	s29 =	sadd.s32 $0x1, s29;
	_ =	swait.ge [sflag:s20], $0x4000  }
0x61: {  	p0 =	sne.s32 s29, s6;
	[sflag:s20] =	ssyncset.done $0x0  }
.Ltmp1:
0x62: {  	[sflag:s20] =	ssyncadd.s32 $0xFFFFC000;
	(pc) =	sbr.rel @p0 .LBB2_1-.Ltmp1, $4  }
0x63: {  	[hbm4b:s14+s2] =	stream.linear.scatter [tilespmem:s19], [sflag:$0x2], $0x4000, $0x38;
	[tilespmem:$0x4C00] =	vst v63  }
0x64: {  	_ =	swait.ge [sflag:s15], $0x4000  }
0x65: {  	[sflag:s15] =	ssyncset.done $0x0  }
0x66: {  	[sflag:s15] =	ssyncadd.s32 $0xFFFFC000  }
0x67: {  	_ =	sfence.sel $0x180000  }
0x68: {  	[bflag:$0x0] =	sbarrier.arrive $0xFFFF  }
0x69: {  	_ =	strace $0x90000047  }
0x6a: {  	[bflag:$0x2] =	sbarrier.arrive $0xFFFF  }
0x6b: {  	p0 =	sne.s32 s0, $0x0;
	s0 =	rddreg [dreg:$0x2]  }
0x6c: {  	s0 =	sadd.s32 @!p0 $0x100000, s0  }
0x6d: {  	[sflag:s0] =	ssyncadd.tile.s32 @!p0 $0x1;
	_ =	shalt  }
.Lfunc_end2:
_tile_overlayer_lowered:
.L_overlay_start_2:
0x6e: {  	(tag) =	ssettag $0x2  }
0x6f: {  	s0 =	rddreg [dreg:$0x0];
	s2 =	stileid.u32  }
0x70: {  	s1 =	rddreg [dreg:$0x1];
	p0 =	sne.s32 s2, $0x0  }
0x71: {  	s3 =	rddreg [dreg:$0x2];
	[bflag:$0x3] =	sbarrier.arrive $0xFFFF;
	s2 =	simm.s32 @!p0 $0x1C02  }
0x72: {  	[timem:s3], [sflag:s2] =	dma.local @!p0 [hbm:s0], s1  }
0x73: {  	s0 =	simm.s32 @!p0 $0x2  }
0x74: {  	_ =	swait.ge @!p0 [sflag:s0], s1  }
0x75: {  	s1 =	ssub.s32 @!p0 $0x0, s1;
	[sflag:s0] =	ssyncset.done @!p0 $0x0  }
0x76: {  	[sflag:s0] =	ssyncadd.s32 @!p0 s1  }
0x77: {  	[bflag:$0x3] =	sbarrier.arrive $0xFFFF  }
0x78: {  	_ =	shalt  }

// kernel: kernel.13.cloned.1.call-start
scs
__scs_entry_jumppad:
0x0: {  	(pc) =	sbr.rel $0x88, $3  }
0x1: {  	(tag) =	ssettag $0x0;
	lr =	simm.s32 $0x1  }
0x2: {  	[smem:$0x3F9C] =	sst lr;
	_ =	strace $0xD0000000  }
0x3: {  	_ = 	snop  }
0x4: {  	_ = 	snop  }
0x5: {  	_ = 	snop  }
0x6: {  	_ = 	snop  }
0x7: {  	_ = 	snop  }
__scs_overlays_trampoline_lowered:
0x8: {  	[smem:$0x3FAB] =	sst s0  }
0x9: {  	[smem:$0x3FAC] =	sst s1  }
0xa: {  	[smem:$0x3FAD] =	sst s2  }
0xb: {  	[smem:$0x3FAE] =	sst s3  }
0xc: {  	[smem:$0x3FAF] =	sst s4  }
0xd: {  	[smem:$0x3FB0] =	sst s5  }
0xe: {  	[smem:$0x3FB1] =	sst s6  }
0xf: {  	[smem:$0x3FB2] =	sst s7  }
0x10: {  	[smem:$0x3FB3] =	sst s8  }
0x11: {  	[smem:$0x3FB4] =	sst s9;
	s0 =	simm.s32 @!p0 $0x0  }
0x12: {  	s1 =	sld [smem:$0x3F9A];
	s0 =	simm.s32 @p0 $0x1  }
0x13: {  	[smem:$0x3FB5] =	sst s0;
	s0 =	simm.s32 @!p1 $0x0  }
0x14: {  	s2 =	sld [smem:$0x3F99];
	s0 =	simm.s32 @p1 $0x1  }
0x15: {  	[smem:$0x3FB6] =	sst s0;
	s0 =	simm.s32 @!p2 $0x0  }
0x16: {  	s3 =	sld [smem:$0x3FDB];
	s0 =	simm.s32 @p2 $0x1  }
0x17: {  	s4 =	simm.s32 $0x1BF5;
	[smem:$0x3FB8] =	sst s0  }
0x18: {  	s0 =	sld [smem:$0x3F9B];
	_ =	swait.ge [sflag:s4], $0x0  }
0x19: {  	s7 =	sld [smem:$0x3F9C]  }
0x1a: {  	s8 =	sadd.s32 $0xFFFFE003, lr  }
0x1b: {  	s9 =	sadd.s32 $0xFFFFFEF7, lr;
	s5 =	simm.s32 $0xFFFFFFFF;
	p2 =	slt.u32 s8, $0xFFFFF086  }
0x1c: {  	p1 =	slt.u32 s9, $0xF7A;
	s5 =	simm.s32 @!p2 $0x0  }
0x1d: {  	s5 =	simm.s32 @p1 $0x1;
	p0 =	seq.s32 s7, s2  }
0x1e: {  	s7 =	smul.u32 @!p0 $0xF7A, s2;
	p2 =	seq.s32 @!p0 s5, $0x0  }
0x1f: {  	s9 =	smul.u32 $0xF7A, s1;
	s8 =	simm.s32 @!p0 $0x1BF5;
	p2 =	por !p2, p0  }
0x20: {  	[sflag:s8] =	ssyncset.s32 @!p0 $0xFFFFF086;
	s6 =	sadd.s32 @!p0 s3, s7;
	s7 =	simm.s32 @!p0 $0x108  }
0x21: {  	s3 =	sadd.s32 s3, s9;
	s6 =	sadd.s32 @!p0 $0x88, s6;
	s7 =	simm.s32 @p2 $0x1082  }
0x22: {  	[simem:s7], [sflag:s8] =	dma.local @!p0 [hbm:s6], $0xF7A  }
0x23: {  	s9 =	sor.u32 $0xD0000000, s2;
	s6 =	simm.s32 $0x108;
	_ =	swait.ge @!p0 [sflag:s8], $0x0  }
0x24: {  	s3 =	sadd.s32 $0x88, s3;
	s6 =	simm.s32 @!p1 $0x1082;
	[sflag:s4] =	ssyncset.s32 $0xFFFFF086  }
0x25: {  	[simem:s6], [sflag:s4] =	dma.local [hbm:s3], $0xF7A  }
0x26: {  	[smem:$0x3F9C] =	sst s1;
	(tag) =	ssettag s2;
	_ =	strace s9  }
0x27: {  	s1 =	sld [smem:$0x3FAC]  }
0x28: {  	s2 =	sld [smem:$0x3FAD]  }
0x29: {  	s4 =	sld [smem:$0x3FAF]  }
0x2a: {  	p0 =	seq.s32 s5, $0x0;
	s5 =	sld [smem:$0x3FB0]  }
0x2b: {  	s6 =	sld [smem:$0x3FB1]  }
0x2c: {  	s7 =	sld [smem:$0x3FB2]  }
0x2d: {  	s3 =	simm.s32 $0x108;
	s8 =	sld [smem:$0x3FB3]  }
0x2e: {  	s3 =	simm.s32 @!p0 $0x1082;
	s9 =	sld [smem:$0x3FB4]  }
0x2f: {  	lr =	sadd.s32 s0, s3;
	s0 =	sld [smem:$0x3FAB]  }
0x30: {  	s3 =	sld [smem:$0x3FAE]  }
0x31: {  	[smem:$0x3FB7] =	sst s10  }
0x32: {  	s10 =	sld [smem:$0x3FB5];
	_ =	sdelay $0x3  }
0x33: {  	p0 =	seq.s32 s10, $0x1;
	s10 =	sld [smem:$0x3FB7];
	_ =	sdelay $0x3  }
0x34: {  	[smem:$0x3FB7] =	sst s10  }
0x35: {  	s10 =	sld [smem:$0x3FB6];
	_ =	sdelay $0x3  }
0x36: {  	p1 =	seq.s32 s10, $0x1;
	s10 =	sld [smem:$0x3FB7];
	_ =	sdelay $0x3  }
0x37: {  	[smem:$0x3FB7] =	sst s10  }
0x38: {  	s10 =	sld [smem:$0x3FB8]  }
0x39: {  	_ = 	snop;
	(pc) =	sbr.ind lr, $3  }
0x3a: {  	_ = 	snop  }
0x3b: {  	_ = 	snop  }
0x3c: {  	p2 =	seq.s32 s10, $0x1;
	s10 =	sld [smem:$0x3FB7]  }
0x3d: {  	_ =	shalt  }
0x3e: {  	_ =	shalt  }
0x3f: {  	_ =	shalt  }
0x40: {  	_ =	shalt  }
0x41: {  	_ =	shalt  }
0x42: {  	_ =	shalt  }
0x43: {  	_ =	shalt  }
0x44: {  	_ =	shalt  }
0x45: {  	_ =	shalt  }
0x46: {  	_ =	shalt  }
0x47: {  	_ =	shalt  }
0x48: {  	_ =	shalt  }
0x49: {  	_ =	shalt  }
0x4a: {  	_ =	shalt  }
0x4b: {  	_ =	shalt  }
0x4c: {  	_ =	shalt  }
0x4d: {  	_ =	shalt  }
0x4e: {  	_ =	shalt  }
0x4f: {  	_ =	shalt  }
0x50: {  	_ =	shalt  }
0x51: {  	_ =	shalt  }
0x52: {  	_ =	shalt  }
0x53: {  	_ =	shalt  }
0x54: {  	_ =	shalt  }
0x55: {  	_ =	shalt  }
0x56: {  	_ =	shalt  }
0x57: {  	_ =	shalt  }
0x58: {  	_ =	shalt  }
0x59: {  	_ =	shalt  }
0x5a: {  	_ =	shalt  }
0x5b: {  	_ =	shalt  }
0x5c: {  	_ =	shalt  }
0x5d: {  	_ =	shalt  }
0x5e: {  	_ =	shalt  }
0x5f: {  	_ =	shalt  }
0x60: {  	_ =	shalt  }
0x61: {  	_ =	shalt  }
0x62: {  	_ =	shalt  }
0x63: {  	_ =	shalt  }
0x64: {  	_ =	shalt  }
0x65: {  	_ =	shalt  }
0x66: {  	_ =	shalt  }
0x67: {  	_ =	shalt  }
0x68: {  	_ =	shalt  }
0x69: {  	_ =	shalt  }
0x6a: {  	_ =	shalt  }
0x6b: {  	_ =	shalt  }
0x6c: {  	_ =	shalt  }
0x6d: {  	_ =	shalt  }
0x6e: {  	_ =	shalt  }
0x6f: {  	_ =	shalt  }
0x70: {  	_ =	shalt  }
0x71: {  	_ =	shalt  }
0x72: {  	_ =	shalt  }
0x73: {  	_ =	shalt  }
0x74: {  	_ =	shalt  }
0x75: {  	_ =	shalt  }
0x76: {  	_ =	shalt  }
0x77: {  	_ =	shalt  }
0x78: {  	_ =	shalt  }
0x79: {  	_ =	shalt  }
0x7a: {  	_ =	shalt  }
0x7b: {  	_ =	shalt  }
0x7c: {  	_ =	shalt  }
0x7d: {  	_ =	shalt  }
0x7e: {  	_ =	shalt  }
0x7f: {  	_ =	shalt  }
0x80: {  	_ =	shalt  }
0x81: {  	_ =	shalt  }
0x82: {  	_ =	shalt  }
0x83: {  	_ =	shalt  }
0x84: {  	_ =	shalt  }
0x85: {  	_ =	shalt  }
0x86: {  	_ =	shalt  }
0x87: {  	_ =	shalt  }
.Lfunc_end0:
.L_simem_size_0:
called_computation.2_lowered:
.L_overlay_start_0:
0x88: {  	s2 =	sld [smem:$0x3FD9]  }
0x89: {  	s3 =	sld [smem:$0x3FFE];
	_ =	sdelay $0x1  }
0x8a: {  	s1 =	srdreg.scid  }
0x8b: {  	s0 =	sand.u32 $0x1, s1  }
0x8c: {  	s17 =	sshll.u32 s0, $0xA;
	s2 =	sadd.s32 s3, s2  }
0x8d: {  	s2 =	sadd.s32 s2, s17  }
0x8e: {  	[smem:$0x3FC3] =	sst s2  }
0x8f: {  	_ = 	snop  }
0x90: {  	(tm) =	ssettm $0x1  }
0x91: {  	s18 =	sld [smem:$0x3FFB];
	_ =	sdelay $0x3  }
0x92: {  	_ =	strace s18  }
0x93: {  	s2 =	sld [smem:$0x3FFC];
	_ =	sdelay $0x3  }
0x94: {  	_ =	strace s2  }
0x95: {  	s2 =	sld [smem:$0x3FFD];
	_ =	sdelay $0x3  }
0x96: {  	_ =	strace s2  }
0x97: {  	_ =	strace $0x8FFFFFFF  }
0x98: {  	s19 =	sld [smem:$0x3FDB];
	_ =	sdelay $0x1  }
0x99: {  	s20 =	simm.s32 $_scs_section_size  }
0x9a: {  	s4 =	simm.s32 $_size__tile_overlayer_lowered;
	s5 =	simm.s32 $_tile_overlayer_lowered  }
0x9b: {  	s6 =	simm.s32 $0x1BFF;
	s21 =	sshll.u32 s5, $0x1;
	s3 =	sadd.s32 s20, s19  }
0x9c: {  	s22 =	simm.s32 $0x0;
	s4 =	sshll.u32 s4, $0x1;
	s5 =	sadd.s32 s21, s3  }
0x9d: {  	[timem:s22], [sflag:s6] =	dma.local [hbm:s5], s4  }
0x9e: {  	_ =	swait.ge [sflag:s6], s4  }
0x9f: {  	s4 =	ssub.s32 $0x0, s4;
	[sflag:s6] =	ssyncset.done $0x0  }
0xa0: {  	[sflag:s6] =	ssyncadd.s32 s4;
	_ =	sdelay $0x1  }
0xa1: {  	s23 =	simm.s32 $0x1B8B  }
0xa2: {  	_ =	swait.ge [sflag:s23], $0x1  }
0xa3: {  	[sflag:s23] =	ssyncset.done $0x0  }
0xa4: {  	[sflag:s23] =	ssyncadd.s32 $0xFFFFFFFF  }
0xa5: {  	s4 =	sld [smem:$0x0]  }
0xa6: {  	s5 =	sand.u32 $0xFFFFFFFE, s1  }
0xa7: {  	p0 =	sne.s32 s1, s5  }
0xa8: {  	s5 =	sshll.u32 @p0 s5, $0xE  }
0xa9: {  	s5 =	sadd.s32 @p0 $0x11B8D, s5;
	s6 =	sshll.u32 @p0 s4, $0x11  }
0xaa: {  	s5 =	sor.u32 @p0 s6, s5  }
0xab: {  	[sflag:s5] =	ssyncadd.remote.s32 @p0 $0x1;
	_ =	sdelay $0x1  }
0xac: {  	s5 =	simm.s32 @p0 $0x1B8D  }
0xad: {  	_ =	swait.eq @p0 [sflag:s5], $0x1  }
0xae: {  	[sflag:s5] =	ssyncadd.s32 @p0 $0xFFFFFFFF  }
0xaf: {  	s6 =	sshll.u32 @!p0 s1, $0xE  }
0xb0: {  	s6 =	sor.u32 @!p0 $0x4000, s6;
	s5 =	simm.s32 @!p0 $0x1B8D  }
0xb1: {  	s4 =	sshll.u32 @!p0 s4, $0x11;
	s6 =	sadd.s32 @!p0 $0x11B8D, s6;
	_ =	swait.eq @!p0 [sflag:s5], $0x1  }
0xb2: {  	s4 =	sor.u32 @!p0 s4, s6;
	[sflag:s5] =	ssyncadd.s32 @!p0 $0xFFFFFFFF  }
0xb3: {  	s25 =	simm.s32 $0x1B8E;
	s24 =	sld [smem:$0x3FFE];
	[sflag:s4] =	ssyncadd.remote.s32 @!p0 $0x1  }
0xb4: {  	s26 =	simm.s32 $execute0_lowered;
	[smem:$0x3FD2] =	sst s25  }
0xb5: {  	s5 =	sshll.u32 s26, $0x1;
	_ =	strace $0x8000004C;
	[dreg:$0x1] =	wrdreg $0xFFFFFFFF  }
0xb6: {  	s28 =	simm.s32 $_size_execute0_lowered;
	s3 =	sadd.s32 s3, s5;
	[dreg:$0x0] =	wrdreg $0x0  }
0xb7: {  	s5 =	sshll.u32 s28, $0x1;
	[dreg:$0x2] =	wrdreg s3  }
0xb8: {  	[dreg:$0x3] =	wrdreg s5  }
0xb9: {  	[dreg:$0x4] =	wrdreg $0xC0  }
0xba: {  	_ =	task [dreg:s22], $0x5FFFF  }
0xbb: {  	[dreg:$0x1] =	wrdreg $0xFFFFFFFF  }
0xbc: {  	[dreg:$0x0] =	wrdreg $0x60  }
0xbd: {  	[dreg:$0x2] =	wrdreg s24  }
0xbe: {  	[dreg:$0x3] =	wrdreg $0xB  }
0xbf: {  	_ =	task.clear_ibuf [dreg:s22], $0x4FFFF;
	_ =	strace $0x9000004C  }
0xc0: {  	s29 =	simm.s32 $0xB;
	_ =	strace $0x8000004E  }
0xc1: {  	_ =	swait.ge [sflag:s29], $0x1  }
0xc2: {  	[sflag:s29] =	ssyncadd.s32 $0xFFFFFFFF  }
0xc3: {  	_ =	strace $0x9000004E  }
0xc4: {  	_ =	sfence  }
0xc5: {  	s30 =	sld [smem:$0x0];
	_ =	sdelay $0x2  }
0xc6: {  	s31 =	sshll.u32 s1, $0xD;
	s1 =	sshrl.u32 s1, $0x2  }
0xc7: {  	s4 =	sand.u32 $0x4000, s31;
	s1 =	sadd.s32 s1, s30  }
0xc8: {  	s0 =	sor.u32 s4, s0;
	s1 =	sshll.u32 s1, $0x11  }
0xc9: {  	s0 =	sor.u32 s1, s0  }
0xca: {  	s0 =	sadd.s32 $0x8F2B, s0  }
0xcb: {  	[sflag:s0] =	ssyncadd.remote.s32 $0x1  }
0xcc: {  	_ =	sfence.sel $0xFFFF  }
0xcd: {  	[dreg:$0x0] =	wrdreg $0xFFFFFFFF;
	(pc) =	sbr.abs _section_cstart, $3  }
0xce: {  	[dreg:$0x1] =	wrdreg $0xFFFFFFFF  }
0xcf: {  	_ =	task.clear_ibuf [dreg:s22], $0x2FFFF;
	_ =	strace $0x9FFFFFFF  }
0xd0: {  	(tm) =	ssettm $0x7FFFFFFF  }
0xd1: {  	_ =	shalt  }
tec
execute0_lowered:
.L_overlay_start_1:
0x0: {  	(tag) =	ssettag $0x1  }
0x1: {  	s1 =	srdreg.scid  }
0x2: {  	s0 =	stileid.u32;
	s5 =	rddreg [dreg:$0x0];
	s2 =	simm.s32 $0x0  }
0x3: {  	s15 =	simm.s32 $0x2;
	s16 =	simm.s32 $0x400;
	s17 =	simm.s32 $0x80  }
0x4: {  	s18 =	simm.s32 $0x800;
	s19 =	simm.s32 $0xC00;
	s20 =	simm.s32 $0x1  }
0x5: {  	s21 =	simm.s32 $0x880;
	s22 =	simm.s32 $0x900;
	s23 =	simm.s32 $0x980  }
0x6: {  	s24 =	simm.s32 $0xA00;
	s25 =	simm.s32 $0xA80;
	s28 =	simm.s32 $0xB80  }
0x7: {  	s4 =	sand.u32 $0x1, s1;
	s3 =	sshll.u32 s0, $0xB;
	[smem:$0x7FF] =	sst s2  }
0x8: {  	s8 =	sshll.u32 s0, $0x6;
	s6 =	sshll.u32 s4, $0xA;
	_ =	strace $0x8000004D  }
0x9: {  	s8 =	sand.u32 $0x300, s8;
	s9 =	ssub.s32 $0x2, s4;
	s6 =	sor.u32 s6, s3  }
0xa: {  	s26 =	sor.u32 $0x400, s8;
	s3 =	sshrl.u32 s6, $0x3;
	s6 =	sshll.u32 s6, $0x4  }
0xb: {  	v0 =	vmov s26;
	s26 =	simm.s32 $0xB00;
	s7 =	sadd.s32 s3, s5;
	s3 =	sadd.s32 $0x807600, s5  }
0xc: {  	s14 =	sadd.s32 s6, s5;
	s4 =	sadd.s32 $0x4600, s7;
	s5 =	sadd.s32 $0x6600, s7  }
0xd: {  	s10 =	sshrl.u32 s9, $0x1;
	s6 =	sadd.s32 $0x10B600, s14;
	s7 =	sadd.s32 $0x10BE00, s14  }
0xe: {  	s11 =	ssub.s32 s9, s10;
	s8 =	sadd.s32 $0x10C600, s14;
	s9 =	sadd.s32 $0x10CE00, s14  }
0xf: {  	s29 =	simm.s32 $0x0;
	s10 =	sadd.s32 $0x10D600, s14;
	s12 =	sadd.s32 $0x10DE00, s14  }
0x10: {  	s11 =	smax.u32 s11, $0x1;
	s13 =	sadd.s32 $0x10E600, s14;
	s14 =	sadd.s32 $0x10EE00, s14  }
.LBB2_1:
0x11: {  	[tilespmem:s2], [sflag:$0x2] =	stream.linear.gather [hbm4b:s4+s2], $0x400, $0x38;
	[tilespmem:$0x4C00] =	vst v63  }
0x12: {  	_ =	swait.ge [sflag:s15], $0x400  }
0x13: {  	[sflag:s15] =	ssyncset.done $0x0  }
0x14: {  	[sflag:s15] =	ssyncadd.s32 $0xFFFFFC00  }
0x15: {  	[tilespmem:s16], [sflag:$0x2] =	stream.linear.gather [hbm4b:s5+s2], $0x400, $0x38;
	[tilespmem:$0x4C00] =	vst v63  }
0x16: {  	_ =	swait.ge [sflag:s15], $0x400  }
0x17: {  	[sflag:s15] =	ssyncset.done $0x0  }
0x18: {  	s30 =	simm.s32 $0x0;
	[sflag:s15] =	ssyncadd.s32 $0xFFFFFC00  }
0x19: {  	v1 =	vld [tilespmem:s30+$0x0]  }
0x1a: {  	s31 =	simm.s32 $0x40;
	v2 =	vld [tilespmem:s30+$0x400]  }
.LBB2_2:
0x1b: {  	_ = 	snop  }
0x1c: {  	p0 =	sne.s32 s31, $0xFC0  }
.Ltmp0:
0x1d: {  	_ = 	snop;
	(pc) =	sbr.rel @p0 .LBB2_2-.Ltmp0, $4  }
0x1e: {  	v3 =	vadd.s32 v0, v1  }
0x1f: {  	s1 =	sshra.s32 s31, $0x2;
	v3 =	vshll.u32 v3, $0x8  }
0x20: {  	v1 =	vld [tilespmem:s1+$0x0];
	v3 =	vadd.s32 v2, v3  }
0x21: {  	s31 =	sadd.s32 $0x40, s31;
	v2 =	vld [tilespmem:s1+$0x400];
	[tilespmem:s30+$0x800] =	vst v3;
	s30 =	smov.u32 s1  }
0x22: {  	_ =	sdelay $0x2  }
0x23: {  	v1 =	vadd.s32 v0, v1  }
0x24: {  	v1 =	vshll.u32 v1, $0x8  }
0x25: {  	v1 =	vadd.s32 v2, v1  }
0x26: {  	[tilespmem:s30+$0x800] =	vst v1  }
0x27: {  	[tilespmem:s19], [sflag:$0x1] =	stream.indirect.gather [hbm4b:s3+s17], $0x80, s18, s17, $0xb8;
	[tilespmem:$0x4C00] =	vst v63  }
0x28: {  	_ =	swait.ge [sflag:s20], $0x4000  }
0x29: {  	[sflag:s20] =	ssyncset.done $0x0  }
0x2a: {  	[sflag:s20] =	ssyncadd.s32 $0xFFFFC000  }
0x2b: {  	[hbm4b:s6+s2] =	stream.linear.scatter [tilespmem:s19], [sflag:$0x2], $0x4000, $0x38;
	[tilespmem:$0x4C00] =	vst v63  }
0x2c: {  	_ =	swait.ge [sflag:s15], $0x4000  }
0x2d: {  	[sflag:s15] =	ssyncset.done $0x0  }
0x2e: {  	[sflag:s15] =	ssyncadd.s32 $0xFFFFC000  }
0x2f: {  	[tilespmem:s19], [sflag:$0x1] =	stream.indirect.gather [hbm4b:s3+s17], $0x80, s21, s17, $0xb8;
	[tilespmem:$0x4C00] =	vst v63  }
0x30: {  	_ =	swait.ge [sflag:s20], $0x4000  }
0x31: {  	[sflag:s20] =	ssyncset.done $0x0  }
0x32: {  	[sflag:s20] =	ssyncadd.s32 $0xFFFFC000  }
0x33: {  	[hbm4b:s7+s2] =	stream.linear.scatter [tilespmem:s19], [sflag:$0x2], $0x4000, $0x38;
	[tilespmem:$0x4C00] =	vst v63  }
0x34: {  	_ =	swait.ge [sflag:s15], $0x4000  }
0x35: {  	[sflag:s15] =	ssyncset.done $0x0  }
0x36: {  	[sflag:s15] =	ssyncadd.s32 $0xFFFFC000  }
0x37: {  	[tilespmem:s19], [sflag:$0x1] =	stream.indirect.gather [hbm4b:s3+s17], $0x80, s22, s17, $0xb8;
	[tilespmem:$0x4C00] =	vst v63  }
0x38: {  	_ =	swait.ge [sflag:s20], $0x4000  }
0x39: {  	[sflag:s20] =	ssyncset.done $0x0  }
0x3a: {  	[sflag:s20] =	ssyncadd.s32 $0xFFFFC000  }
0x3b: {  	[hbm4b:s8+s2] =	stream.linear.scatter [tilespmem:s19], [sflag:$0x2], $0x4000, $0x38;
	[tilespmem:$0x4C00] =	vst v63  }
0x3c: {  	_ =	swait.ge [sflag:s15], $0x4000  }
0x3d: {  	[sflag:s15] =	ssyncset.done $0x0  }
0x3e: {  	[sflag:s15] =	ssyncadd.s32 $0xFFFFC000  }
0x3f: {  	[tilespmem:s19], [sflag:$0x1] =	stream.indirect.gather [hbm4b:s3+s17], $0x80, s23, s17, $0xb8;
	[tilespmem:$0x4C00] =	vst v63  }
0x40: {  	_ =	swait.ge [sflag:s20], $0x4000  }
0x41: {  	[sflag:s20] =	ssyncset.done $0x0  }
0x42: {  	[sflag:s20] =	ssyncadd.s32 $0xFFFFC000  }
0x43: {  	[hbm4b:s9+s2] =	stream.linear.scatter [tilespmem:s19], [sflag:$0x2], $0x4000, $0x38;
	[tilespmem:$0x4C00] =	vst v63  }
0x44: {  	_ =	swait.ge [sflag:s15], $0x4000  }
0x45: {  	[sflag:s15] =	ssyncset.done $0x0  }
0x46: {  	[sflag:s15] =	ssyncadd.s32 $0xFFFFC000  }
0x47: {  	[tilespmem:s19], [sflag:$0x1] =	stream.indirect.gather [hbm4b:s3+s17], $0x80, s24, s17, $0xb8;
	[tilespmem:$0x4C00] =	vst v63  }
0x48: {  	_ =	swait.ge [sflag:s20], $0x4000  }
0x49: {  	[sflag:s20] =	ssyncset.done $0x0  }
0x4a: {  	[sflag:s20] =	ssyncadd.s32 $0xFFFFC000  }
0x4b: {  	[hbm4b:s10+s2] =	stream.linear.scatter [tilespmem:s19], [sflag:$0x2], $0x4000, $0x38;
	[tilespmem:$0x4C00] =	vst v63  }
0x4c: {  	_ =	swait.ge [sflag:s15], $0x4000  }
0x4d: {  	[sflag:s15] =	ssyncset.done $0x0  }
0x4e: {  	[sflag:s15] =	ssyncadd.s32 $0xFFFFC000  }
0x4f: {  	[tilespmem:s19], [sflag:$0x1] =	stream.indirect.gather [hbm4b:s3+s17], $0x80, s25, s17, $0xb8;
	[tilespmem:$0x4C00] =	vst v63  }
0x50: {  	_ =	swait.ge [sflag:s20], $0x4000  }
0x51: {  	[sflag:s20] =	ssyncset.done $0x0  }
0x52: {  	[sflag:s20] =	ssyncadd.s32 $0xFFFFC000  }
0x53: {  	[hbm4b:s12+s2] =	stream.linear.scatter [tilespmem:s19], [sflag:$0x2], $0x4000, $0x38;
	[tilespmem:$0x4C00] =	vst v63  }
0x54: {  	_ =	swait.ge [sflag:s15], $0x4000  }
0x55: {  	[sflag:s15] =	ssyncset.done $0x0  }
0x56: {  	[sflag:s15] =	ssyncadd.s32 $0xFFFFC000  }
0x57: {  	[tilespmem:s19], [sflag:$0x1] =	stream.indirect.gather [hbm4b:s3+s17], $0x80, s26, s17, $0xb8;
	[tilespmem:$0x4C00] =	vst v63  }
0x58: {  	_ =	swait.ge [sflag:s20], $0x4000  }
0x59: {  	[sflag:s20] =	ssyncset.done $0x0  }
0x5a: {  	[sflag:s20] =	ssyncadd.s32 $0xFFFFC000  }
0x5b: {  	[hbm4b:s13+s2] =	stream.linear.scatter [tilespmem:s19], [sflag:$0x2], $0x4000, $0x38;
	[tilespmem:$0x4C00] =	vst v63  }
0x5c: {  	_ =	swait.ge [sflag:s15], $0x4000  }
0x5d: {  	[sflag:s15] =	ssyncset.done $0x0  }
0x5e: {  	[sflag:s15] =	ssyncadd.s32 $0xFFFFC000  }
0x5f: {  	[tilespmem:s19], [sflag:$0x1] =	stream.indirect.gather [hbm4b:s3+s17], $0x80, s28, s17, $0xb8;
	[tilespmem:$0x4C00] =	vst v63  }
0x60: {  	s29 =	sadd.s32 $0x1, s29;
	_ =	swait.ge [sflag:s20], $0x4000  }
0x61: {  	p0 =	sne.s32 s29, s11;
	[sflag:s20] =	ssyncset.done $0x0  }
.Ltmp1:
0x62: {  	[sflag:s20] =	ssyncadd.s32 $0xFFFFC000;
	(pc) =	sbr.rel @p0 .LBB2_1-.Ltmp1, $4  }
0x63: {  	[hbm4b:s14+s2] =	stream.linear.scatter [tilespmem:s19], [sflag:$0x2], $0x4000, $0x38;
	[tilespmem:$0x4C00] =	vst v63  }
0x64: {  	_ =	swait.ge [sflag:s15], $0x4000  }
0x65: {  	[sflag:s15] =	ssyncset.done $0x0  }
0x66: {  	[sflag:s15] =	ssyncadd.s32 $0xFFFFC000  }
0x67: {  	_ =	sfence.sel $0x180000  }
0x68: {  	[bflag:$0x0] =	sbarrier.arrive $0xFFFF  }
0x69: {  	_ =	strace $0x9000004D  }
0x6a: {  	[bflag:$0x2] =	sbarrier.arrive $0xFFFF  }
0x6b: {  	p0 =	sne.s32 s0, $0x0;
	s0 =	rddreg [dreg:$0x1]  }
0x6c: {  	s0 =	sadd.s32 @!p0 $0x100000, s0  }
0x6d: {  	[sflag:s0] =	ssyncadd.tile.s32 @!p0 $0x1;
	_ =	shalt  }
.Lfunc_end2:
_tile_overlayer_lowered:
.L_overlay_start_2:
0x6e: {  	(tag) =	ssettag $0x2  }
0x6f: {  	s0 =	rddreg [dreg:$0x0];
	s2 =	stileid.u32  }
0x70: {  	s1 =	rddreg [dreg:$0x1];
	p0 =	sne.s32 s2, $0x0  }
0x71: {  	s3 =	rddreg [dreg:$0x2];
	[bflag:$0x3] =	sbarrier.arrive $0xFFFF;
	s2 =	simm.s32 @!p0 $0x1C02  }
0x72: {  	[timem:s3], [sflag:s2] =	dma.local @!p0 [hbm:s0], s1  }
0x73: {  	s0 =	simm.s32 @!p0 $0x2  }
0x74: {  	_ =	swait.ge @!p0 [sflag:s0], s1  }
0x75: {  	s1 =	ssub.s32 @!p0 $0x0, s1;
	[sflag:s0] =	ssyncset.done @!p0 $0x0  }
0x76: {  	[sflag:s0] =	ssyncadd.s32 @!p0 s1  }
0x77: {  	[bflag:$0x3] =	sbarrier.arrive $0xFFFF  }
0x78: {  	_ =	shalt  }

// kernel: kernel.7.cloned.1.call-start
scs
__scs_entry_jumppad:
0x0: {  	(pc) =	sbr.rel $0x88, $3  }
0x1: {  	(tag) =	ssettag $0x0;
	lr =	simm.s32 $0x1  }
0x2: {  	[smem:$0x3F9C] =	sst lr;
	_ =	strace $0xD0000000  }
0x3: {  	_ = 	snop  }
0x4: {  	_ = 	snop  }
0x5: {  	_ = 	snop  }
0x6: {  	_ = 	snop  }
0x7: {  	_ = 	snop  }
__scs_overlays_trampoline_lowered:
0x8: {  	[smem:$0x3FAB] =	sst s0  }
0x9: {  	[smem:$0x3FAC] =	sst s1  }
0xa: {  	[smem:$0x3FAD] =	sst s2  }
0xb: {  	[smem:$0x3FAE] =	sst s3  }
0xc: {  	[smem:$0x3FAF] =	sst s4  }
0xd: {  	[smem:$0x3FB0] =	sst s5  }
0xe: {  	[smem:$0x3FB1] =	sst s6  }
0xf: {  	[smem:$0x3FB2] =	sst s7  }
0x10: {  	[smem:$0x3FB3] =	sst s8  }
0x11: {  	[smem:$0x3FB4] =	sst s9;
	s0 =	simm.s32 @!p0 $0x0  }
0x12: {  	s1 =	sld [smem:$0x3F9A];
	s0 =	simm.s32 @p0 $0x1  }
0x13: {  	[smem:$0x3FB5] =	sst s0;
	s0 =	simm.s32 @!p1 $0x0  }
0x14: {  	s2 =	sld [smem:$0x3F99];
	s0 =	simm.s32 @p1 $0x1  }
0x15: {  	[smem:$0x3FB6] =	sst s0;
	s0 =	simm.s32 @!p2 $0x0  }
0x16: {  	s3 =	sld [smem:$0x3FDB];
	s0 =	simm.s32 @p2 $0x1  }
0x17: {  	s4 =	simm.s32 $0x1BF5;
	[smem:$0x3FB8] =	sst s0  }
0x18: {  	s0 =	sld [smem:$0x3F9B];
	_ =	swait.ge [sflag:s4], $0x0  }
0x19: {  	s7 =	sld [smem:$0x3F9C]  }
0x1a: {  	s8 =	sadd.s32 $0xFFFFE003, lr  }
0x1b: {  	s9 =	sadd.s32 $0xFFFFFEF7, lr;
	s5 =	simm.s32 $0xFFFFFFFF;
	p2 =	slt.u32 s8, $0xFFFFF086  }
0x1c: {  	p1 =	slt.u32 s9, $0xF7A;
	s5 =	simm.s32 @!p2 $0x0  }
0x1d: {  	s5 =	simm.s32 @p1 $0x1;
	p0 =	seq.s32 s7, s2  }
0x1e: {  	s7 =	smul.u32 @!p0 $0xF7A, s2;
	p2 =	seq.s32 @!p0 s5, $0x0  }
0x1f: {  	s9 =	smul.u32 $0xF7A, s1;
	s8 =	simm.s32 @!p0 $0x1BF5;
	p2 =	por !p2, p0  }
0x20: {  	[sflag:s8] =	ssyncset.s32 @!p0 $0xFFFFF086;
	s6 =	sadd.s32 @!p0 s3, s7;
	s7 =	simm.s32 @!p0 $0x108  }
0x21: {  	s3 =	sadd.s32 s3, s9;
	s6 =	sadd.s32 @!p0 $0x88, s6;
	s7 =	simm.s32 @p2 $0x1082  }
0x22: {  	[simem:s7], [sflag:s8] =	dma.local @!p0 [hbm:s6], $0xF7A  }
0x23: {  	s9 =	sor.u32 $0xD0000000, s2;
	s6 =	simm.s32 $0x108;
	_ =	swait.ge @!p0 [sflag:s8], $0x0  }
0x24: {  	s3 =	sadd.s32 $0x88, s3;
	s6 =	simm.s32 @!p1 $0x1082;
	[sflag:s4] =	ssyncset.s32 $0xFFFFF086  }
0x25: {  	[simem:s6], [sflag:s4] =	dma.local [hbm:s3], $0xF7A  }
0x26: {  	[smem:$0x3F9C] =	sst s1;
	(tag) =	ssettag s2;
	_ =	strace s9  }
0x27: {  	s1 =	sld [smem:$0x3FAC]  }
0x28: {  	s2 =	sld [smem:$0x3FAD]  }
0x29: {  	s4 =	sld [smem:$0x3FAF]  }
0x2a: {  	p0 =	seq.s32 s5, $0x0;
	s5 =	sld [smem:$0x3FB0]  }
0x2b: {  	s6 =	sld [smem:$0x3FB1]  }
0x2c: {  	s7 =	sld [smem:$0x3FB2]  }
0x2d: {  	s3 =	simm.s32 $0x108;
	s8 =	sld [smem:$0x3FB3]  }
0x2e: {  	s3 =	simm.s32 @!p0 $0x1082;
	s9 =	sld [smem:$0x3FB4]  }
0x2f: {  	lr =	sadd.s32 s0, s3;
	s0 =	sld [smem:$0x3FAB]  }
0x30: {  	s3 =	sld [smem:$0x3FAE]  }
0x31: {  	[smem:$0x3FB7] =	sst s10  }
0x32: {  	s10 =	sld [smem:$0x3FB5];
	_ =	sdelay $0x3  }
0x33: {  	p0 =	seq.s32 s10, $0x1;
	s10 =	sld [smem:$0x3FB7];
	_ =	sdelay $0x3  }
0x34: {  	[smem:$0x3FB7] =	sst s10  }
0x35: {  	s10 =	sld [smem:$0x3FB6];
	_ =	sdelay $0x3  }
0x36: {  	p1 =	seq.s32 s10, $0x1;
	s10 =	sld [smem:$0x3FB7];
	_ =	sdelay $0x3  }
0x37: {  	[smem:$0x3FB7] =	sst s10  }
0x38: {  	s10 =	sld [smem:$0x3FB8]  }
0x39: {  	_ = 	snop;
	(pc) =	sbr.ind lr, $3  }
0x3a: {  	_ = 	snop  }
0x3b: {  	_ = 	snop  }
0x3c: {  	p2 =	seq.s32 s10, $0x1;
	s10 =	sld [smem:$0x3FB7]  }
0x3d: {  	_ =	shalt  }
0x3e: {  	_ =	shalt  }
0x3f: {  	_ =	shalt  }
0x40: {  	_ =	shalt  }
0x41: {  	_ =	shalt  }
0x42: {  	_ =	shalt  }
0x43: {  	_ =	shalt  }
0x44: {  	_ =	shalt  }
0x45: {  	_ =	shalt  }
0x46: {  	_ =	shalt  }
0x47: {  	_ =	shalt  }
0x48: {  	_ =	shalt  }
0x49: {  	_ =	shalt  }
0x4a: {  	_ =	shalt  }
0x4b: {  	_ =	shalt  }
0x4c: {  	_ =	shalt  }
0x4d: {  	_ =	shalt  }
0x4e: {  	_ =	shalt  }
0x4f: {  	_ =	shalt  }
0x50: {  	_ =	shalt  }
0x51: {  	_ =	shalt  }
0x52: {  	_ =	shalt  }
0x53: {  	_ =	shalt  }
0x54: {  	_ =	shalt  }
0x55: {  	_ =	shalt  }
0x56: {  	_ =	shalt  }
0x57: {  	_ =	shalt  }
0x58: {  	_ =	shalt  }
0x59: {  	_ =	shalt  }
0x5a: {  	_ =	shalt  }
0x5b: {  	_ =	shalt  }
0x5c: {  	_ =	shalt  }
0x5d: {  	_ =	shalt  }
0x5e: {  	_ =	shalt  }
0x5f: {  	_ =	shalt  }
0x60: {  	_ =	shalt  }
0x61: {  	_ =	shalt  }
0x62: {  	_ =	shalt  }
0x63: {  	_ =	shalt  }
0x64: {  	_ =	shalt  }
0x65: {  	_ =	shalt  }
0x66: {  	_ =	shalt  }
0x67: {  	_ =	shalt  }
0x68: {  	_ =	shalt  }
0x69: {  	_ =	shalt  }
0x6a: {  	_ =	shalt  }
0x6b: {  	_ =	shalt  }
0x6c: {  	_ =	shalt  }
0x6d: {  	_ =	shalt  }
0x6e: {  	_ =	shalt  }
0x6f: {  	_ =	shalt  }
0x70: {  	_ =	shalt  }
0x71: {  	_ =	shalt  }
0x72: {  	_ =	shalt  }
0x73: {  	_ =	shalt  }
0x74: {  	_ =	shalt  }
0x75: {  	_ =	shalt  }
0x76: {  	_ =	shalt  }
0x77: {  	_ =	shalt  }
0x78: {  	_ =	shalt  }
0x79: {  	_ =	shalt  }
0x7a: {  	_ =	shalt  }
0x7b: {  	_ =	shalt  }
0x7c: {  	_ =	shalt  }
0x7d: {  	_ =	shalt  }
0x7e: {  	_ =	shalt  }
0x7f: {  	_ =	shalt  }
0x80: {  	_ =	shalt  }
0x81: {  	_ =	shalt  }
0x82: {  	_ =	shalt  }
0x83: {  	_ =	shalt  }
0x84: {  	_ =	shalt  }
0x85: {  	_ =	shalt  }
0x86: {  	_ =	shalt  }
0x87: {  	_ =	shalt  }
.Lfunc_end0:
.L_simem_size_0:
called_computation_lowered:
.L_overlay_start_0:
0x88: {  	s2 =	sld [smem:$0x3FD9]  }
0x89: {  	s3 =	sld [smem:$0x3FFE];
	_ =	sdelay $0x1  }
0x8a: {  	s1 =	srdreg.scid  }
0x8b: {  	s0 =	sand.u32 $0x1, s1  }
0x8c: {  	s17 =	sshll.u32 s0, $0xA;
	s2 =	sadd.s32 s3, s2  }
0x8d: {  	s2 =	sadd.s32 s2, s17  }
0x8e: {  	[smem:$0x3FC3] =	sst s2  }
0x8f: {  	_ = 	snop  }
0x90: {  	(tm) =	ssettm $0x1  }
0x91: {  	s18 =	sld [smem:$0x3FFB];
	_ =	sdelay $0x3  }
0x92: {  	_ =	strace s18  }
0x93: {  	s2 =	sld [smem:$0x3FFC];
	_ =	sdelay $0x3  }
0x94: {  	_ =	strace s2  }
0x95: {  	s2 =	sld [smem:$0x3FFD];
	_ =	sdelay $0x3  }
0x96: {  	_ =	strace s2  }
0x97: {  	_ =	strace $0x8FFFFFFF  }
0x98: {  	s19 =	sld [smem:$0x3FDB];
	_ =	sdelay $0x1  }
0x99: {  	s20 =	simm.s32 $_scs_section_size  }
0x9a: {  	s4 =	simm.s32 $_size__tile_overlayer_lowered;
	s5 =	simm.s32 $_tile_overlayer_lowered  }
0x9b: {  	s6 =	simm.s32 $0x1BFF;
	s21 =	sshll.u32 s5, $0x1;
	s3 =	sadd.s32 s20, s19  }
0x9c: {  	s22 =	simm.s32 $0x0;
	s4 =	sshll.u32 s4, $0x1;
	s5 =	sadd.s32 s21, s3  }
0x9d: {  	[timem:s22], [sflag:s6] =	dma.local [hbm:s5], s4  }
0x9e: {  	_ =	swait.ge [sflag:s6], s4  }
0x9f: {  	s4 =	ssub.s32 $0x0, s4;
	[sflag:s6] =	ssyncset.done $0x0  }
0xa0: {  	[sflag:s6] =	ssyncadd.s32 s4;
	_ =	sdelay $0x1  }
0xa1: {  	s23 =	simm.s32 $0x1B8B  }
0xa2: {  	_ =	swait.ge [sflag:s23], $0x1  }
0xa3: {  	[sflag:s23] =	ssyncset.done $0x0  }
0xa4: {  	[sflag:s23] =	ssyncadd.s32 $0xFFFFFFFF  }
0xa5: {  	s4 =	sld [smem:$0x0]  }
0xa6: {  	s5 =	sand.u32 $0xFFFFFFFE, s1  }
0xa7: {  	p0 =	sne.s32 s1, s5  }
0xa8: {  	s5 =	sshll.u32 @p0 s5, $0xE  }
0xa9: {  	s5 =	sadd.s32 @p0 $0x11B8D, s5;
	s6 =	sshll.u32 @p0 s4, $0x11  }
0xaa: {  	s5 =	sor.u32 @p0 s6, s5  }
0xab: {  	[sflag:s5] =	ssyncadd.remote.s32 @p0 $0x1;
	_ =	sdelay $0x1  }
0xac: {  	s5 =	simm.s32 @p0 $0x1B8D  }
0xad: {  	_ =	swait.eq @p0 [sflag:s5], $0x1  }
0xae: {  	[sflag:s5] =	ssyncadd.s32 @p0 $0xFFFFFFFF  }
0xaf: {  	s6 =	sshll.u32 @!p0 s1, $0xE  }
0xb0: {  	s6 =	sor.u32 @!p0 $0x4000, s6;
	s5 =	simm.s32 @!p0 $0x1B8D  }
0xb1: {  	s4 =	sshll.u32 @!p0 s4, $0x11;
	s6 =	sadd.s32 @!p0 $0x11B8D, s6;
	_ =	swait.eq @!p0 [sflag:s5], $0x1  }
0xb2: {  	s4 =	sor.u32 @!p0 s4, s6;
	[sflag:s5] =	ssyncadd.s32 @!p0 $0xFFFFFFFF  }
0xb3: {  	s25 =	simm.s32 $0x1B8E;
	s24 =	sld [smem:$0x3FFE];
	[sflag:s4] =	ssyncadd.remote.s32 @!p0 $0x1  }
0xb4: {  	s26 =	simm.s32 $execute0_lowered;
	[smem:$0x3FD2] =	sst s25  }
0xb5: {  	s5 =	sshll.u32 s26, $0x1;
	_ =	strace $0x80000049;
	[dreg:$0x1] =	wrdreg $0xFFFFFFFF  }
0xb6: {  	s28 =	simm.s32 $_size_execute0_lowered;
	s3 =	sadd.s32 s3, s5;
	[dreg:$0x0] =	wrdreg $0x0  }
0xb7: {  	s5 =	sshll.u32 s28, $0x1;
	[dreg:$0x2] =	wrdreg s3  }
0xb8: {  	[dreg:$0x3] =	wrdreg s5  }
0xb9: {  	[dreg:$0x4] =	wrdreg $0xC0  }
0xba: {  	_ =	task [dreg:s22], $0x5FFFF  }
0xbb: {  	[dreg:$0x1] =	wrdreg $0xFFFFFFFF  }
0xbc: {  	[dreg:$0x0] =	wrdreg $0x60  }
0xbd: {  	[dreg:$0x2] =	wrdreg s24  }
0xbe: {  	[dreg:$0x3] =	wrdreg $0x9  }
0xbf: {  	_ =	task.clear_ibuf [dreg:s22], $0x4FFFF;
	_ =	strace $0x90000049  }
0xc0: {  	s29 =	simm.s32 $0x9;
	_ =	strace $0x8000004B  }
0xc1: {  	_ =	swait.ge [sflag:s29], $0x1  }
0xc2: {  	[sflag:s29] =	ssyncadd.s32 $0xFFFFFFFF  }
0xc3: {  	_ =	strace $0x9000004B  }
0xc4: {  	_ =	sfence  }
0xc5: {  	s30 =	sld [smem:$0x0];
	_ =	sdelay $0x2  }
0xc6: {  	s31 =	sshll.u32 s1, $0xD;
	s1 =	sshrl.u32 s1, $0x2  }
0xc7: {  	s4 =	sand.u32 $0x4000, s31;
	s1 =	sadd.s32 s1, s30  }
0xc8: {  	s0 =	sor.u32 s4, s0;
	s1 =	sshll.u32 s1, $0x11  }
0xc9: {  	s0 =	sor.u32 s1, s0  }
0xca: {  	s0 =	sadd.s32 $0x8F2B, s0  }
0xcb: {  	[sflag:s0] =	ssyncadd.remote.s32 $0x1  }
0xcc: {  	_ =	sfence.sel $0xFFFF  }
0xcd: {  	[dreg:$0x0] =	wrdreg $0xFFFFFFFF;
	(pc) =	sbr.abs _section_cstart, $3  }
0xce: {  	[dreg:$0x1] =	wrdreg $0xFFFFFFFF  }
0xcf: {  	_ =	task.clear_ibuf [dreg:s22], $0x2FFFF;
	_ =	strace $0x9FFFFFFF  }
0xd0: {  	(tm) =	ssettm $0x7FFFFFFF  }
0xd1: {  	_ =	shalt  }
tec
execute0_lowered:
.L_overlay_start_1:
0x0: {  	(tag) =	ssettag $0x1  }
0x1: {  	s1 =	srdreg.scid;
	s0 =	stileid.u32  }
0x2: {  	s4 =	rddreg [dreg:$0x0];
	s2 =	simm.s32 $0x0;
	s10 =	simm.s32 $0x80  }
0x3: {  	s11 =	simm.s32 $0x2000;
	s12 =	simm.s32 $0x4000;
	s14 =	simm.s32 $0x2  }
0x4: {  	s15 =	simm.s32 $0x0;
	s5 =	sand.u32 $0x1, s1;
	s1 =	rddreg [dreg:$0x1]  }
0x5: {  	s3 =	sshll.u32 s0, $0xC;
	[smem:$0x7FF] =	sst s2;
	s8 =	sshll.u32 s0, $0x10  }
0x6: {  	s29 =	sshll.u32 s0, $0x7;
	s6 =	sshll.u32 s5, $0xB;
	_ =	strace $0x8000004A  }
0x7: {  	v0 =	vlaneseq.u32;
	s7 =	ssub.s32 $0x2, s5;
	s8 =	sadd.s32 s8, s4;
	s13 =	sand.u32 $0x700, s29  }
0x8: {  	v1 =	vand.u32 $0x3, v0;
	s30 =	sshll.u32 s5, $0xF;
	s3 =	sor.u32 s6, s3;
	s9 =	sshrl.u32 s7, $0x1  }
0x9: {  	v2 =	vmul.u32 $0x2, v1;
	s31 =	sadd.s32 s30, s8;
	s8 =	simm.s32 $0x3;
	v1 =	vmov s13;
	s13 =	simm.s32 $0x1  }
0xa: {  	v0 =	vmul.u32 $0x2, v0;
	s3 =	sshrl.u32 s3, $0x3;
	s7 =	ssub.s32 s7, s9;
	s9 =	simm.s32 $0x1000  }
0xb: {  	s28 =	sadd.s32 s3, s4;
	s3 =	sadd.s32 $0x7600, s4;
	s6 =	smax.u32 s7, $0x1  }
0xc: {  	v3 =	vor.u32 $0x1, v0;
	v2 =	vor.u32 $0xFFFFFFF8, v2;
	s7 =	sadd.s32 $0xB600, s31;
	s4 =	sadd.s32 $0x3600, s28;
	s5 =	sadd.s32 $0x5600, s28  }
.LBB2_1:
0xd: {  	[tilespmem:s2], [sflag:$0x3] =	stream.linear.gather [hbm4b:s4+s2], $0x800, $0x38;
	[tilespmem:$0x6000] =	vst v63  }
0xe: {  	_ =	swait.ge [sflag:s8], $0x800  }
0xf: {  	[sflag:s8] =	ssyncset.done $0x0  }
0x10: {  	s16 =	simm.s32 $0x800;
	[sflag:s8] =	ssyncadd.s32 $0xFFFFF800  }
0x11: {  	[tilespmem:s16], [sflag:$0x3] =	stream.linear.gather [hbm4b:s5+s2], $0x800, $0x38;
	[tilespmem:$0x6000] =	vst v63  }
0x12: {  	_ =	swait.ge [sflag:s8], $0x800  }
0x13: {  	[sflag:s8] =	ssyncset.done $0x0  }
0x14: {  	[sflag:s8] =	ssyncadd.s32 $0xFFFFF800  }
0x15: {  	v4 =	vor.u32 s2, v0;
	v5 =	vld [tilespmem:s2+$0x0]  }
0x16: {  	v4 =	vand.u32 v2, v4;
	_ =	sdelay $0x3  }
0x17: {  	v5 =	vadd.s32 v1, v5  }
0x18: {  	[tilespmem:v4+s9+$0x0] =	vst.idx.msk $0xffff, v5  }
0x19: {  	v5 =	vld [tilespmem:s16+$0x0]  }
0x1a: {  	v4 =	vor.u32 s2, v3;
	_ =	sdelay $0x3  }
0x1b: {  	s17 =	simm.s32 $0x20;
	s18 =	simm.s32 $0x0;
	v5 =	vadd.s32 v1, v5  }
.LBB2_2:
0x1c: {  	p0 =	sne.s32 s17, $0xFE0;
	[tilespmem:v4+s9+$0x0] =	vst.idx.msk $0xffff, v5;
	s18 =	sadd.s32 $0x10, s18;
	s16 =	sadd.s32 $0x10, s16  }
0x1d: {  	v4 =	vor.u32 s17, v0;
	s19 =	smov.u32 s17;
	s17 =	sadd.s32 $0x20, s17;
	v5 =	vld [tilespmem:s18+$0x0]  }
0x1e: {  	v4 =	vand.u32 v2, v4;
	_ =	sdelay $0x3  }
0x1f: {  	v5 =	vadd.s32 v1, v5  }
0x20: {  	[tilespmem:v4+s9+$0x0] =	vst.idx.msk $0xffff, v5  }
0x21: {  	v5 =	vld [tilespmem:s16+$0x0]  }
.Ltmp0:
0x22: {  	v4 =	vor.u32 s19, v3;
	(pc) =	sbr.rel @p0 .LBB2_2-.Ltmp0, $2  }
0x23: {  	_ =	sdelay $0x2  }
0x24: {  	v5 =	vadd.s32 v1, v5  }
0x25: {  	_ =	sdelay $0x3  }
0x26: {  	[tilespmem:v4+s9+$0x0] =	vst.idx.msk $0xffff, v5;
	s16 =	simm.s32 $0x1000  }
0x27: {  	[tilespmem:s11], [sflag:$0x1] =	stream.indirect.gather [hbm4b:s3+s10], $0x40, s16, s10, $0xb8;
	[tilespmem:$0x6000] =	vst v63  }
0x28: {  	s30 =	simm.s32 $0x1080  }
0x29: {  	[tilespmem:s12], [sflag:$0x2] =	stream.indirect.gather [hbm4b:s3+s10], $0x40, s30, s10, $0xb8;
	[tilespmem:$0x6000] =	vst v63  }
0x2a: {  	_ =	swait.ge [sflag:s13], $0x2000  }
0x2b: {  	[sflag:s13] =	ssyncset.done $0x0  }
0x2c: {  	[sflag:s13] =	ssyncadd.s32 $0xFFFFE000  }
0x2d: {  	[hbm4b:s7+s2] =	stream.linear.scatter [tilespmem:s11], [sflag:$0x3], $0x2000, $0x38;
	[tilespmem:$0x6000] =	vst v63  }
0x2e: {  	_ =	swait.ge [sflag:s8], $0x2000  }
0x2f: {  	[sflag:s8] =	ssyncset.done $0x0  }
0x30: {  	[sflag:s8] =	ssyncadd.s32 $0xFFFFE000  }
0x31: {  	_ =	swait.ge [sflag:s14], $0x2000  }
0x32: {  	[sflag:s14] =	ssyncset.done $0x0  }
0x33: {  	s31 =	sadd.s32 $0x400, s7;
	[sflag:s14] =	ssyncadd.s32 $0xFFFFE000  }
0x34: {  	[hbm4b:s31+s2] =	stream.linear.scatter [tilespmem:s12], [sflag:$0x3], $0x2000, $0x38;
	[tilespmem:$0x6000] =	vst v63  }
0x35: {  	s18 =	simm.s32 $0x800;
	_ =	swait.ge [sflag:s8], $0x2000  }
0x36: {  	s17 =	simm.s32 $0x100;
	s16 =	sadd.s32 $0x800, s7;
	[sflag:s8] =	ssyncset.done $0x0  }
.LBB2_4:
0x37: {  	s19 =	sadd.s32 $0x1000, s17  }
0x38: {  	[sflag:s8] =	ssyncadd.s32 $0xFFFFE000;
	s20 =	smov.u32 s18;
	s21 =	sadd.s32 $0x400, s18  }
0x39: {  	[tilespmem:s11], [sflag:$0x1] =	stream.indirect.gather [hbm4b:s3+s10], $0x40, s19, s10, $0xb8;
	[tilespmem:$0x6000] =	vst v63  }
0x3a: {  	p0 =	sne.s32 s18, $0x3C00;
	s17 =	sadd.s32 $0x1080, s17  }
0x3b: {  	[tilespmem:s12], [sflag:$0x2] =	stream.indirect.gather [hbm4b:s3+s10], $0x40, s17, s10, $0xb8;
	[tilespmem:$0x6000] =	vst v63  }
0x3c: {  	_ =	swait.ge [sflag:s13], $0x2000  }
0x3d: {  	[sflag:s13] =	ssyncset.done $0x0  }
0x3e: {  	[sflag:s13] =	ssyncadd.s32 $0xFFFFE000  }
0x3f: {  	[hbm4b:s16+s2] =	stream.linear.scatter [tilespmem:s11], [sflag:$0x3], $0x2000, $0x38;
	[tilespmem:$0x6000] =	vst v63  }
0x40: {  	_ =	swait.ge [sflag:s8], $0x2000  }
0x41: {  	[sflag:s8] =	ssyncset.done $0x0  }
0x42: {  	[sflag:s8] =	ssyncadd.s32 $0xFFFFE000  }
0x43: {  	_ =	swait.ge [sflag:s14], $0x2000  }
.Ltmp1:
0x44: {  	[sflag:s14] =	ssyncset.done $0x0;
	(pc) =	sbr.rel @p0 .LBB2_4-.Ltmp1, $4  }
0x45: {  	s17 =	sadd.s32 $0x400, s16;
	[sflag:s14] =	ssyncadd.s32 $0xFFFFE000  }
0x46: {  	[hbm4b:s17+s2] =	stream.linear.scatter [tilespmem:s12], [sflag:$0x3], $0x2000, $0x38;
	[tilespmem:$0x6000] =	vst v63  }
0x47: {  	s18 =	smov.u32 s21;
	_ =	swait.ge [sflag:s8], $0x2000  }
0x48: {  	s16 =	sadd.s32 $0x800, s16;
	s17 =	sshra.s32 s20, $0x2;
	[sflag:s8] =	ssyncset.done $0x0  }
0x49: {  	s18 =	sadd.s32 $0x1000, s17;
	[sflag:s8] =	ssyncadd.s32 $0xFFFFE000  }
0x4a: {  	[tilespmem:s11], [sflag:$0x1] =	stream.indirect.gather [hbm4b:s3+s10], $0x40, s18, s10, $0xb8;
	[tilespmem:$0x6000] =	vst v63  }
0x4b: {  	s30 =	sadd.s32 $0x1080, s17  }
0x4c: {  	[tilespmem:s12], [sflag:$0x2] =	stream.indirect.gather [hbm4b:s3+s10], $0x40, s30, s10, $0xb8;
	[tilespmem:$0x6000] =	vst v63  }
0x4d: {  	_ =	swait.ge [sflag:s13], $0x2000  }
0x4e: {  	[sflag:s13] =	ssyncset.done $0x0  }
0x4f: {  	[sflag:s13] =	ssyncadd.s32 $0xFFFFE000  }
0x50: {  	[hbm4b:s16+s2] =	stream.linear.scatter [tilespmem:s11], [sflag:$0x3], $0x2000, $0x38;
	[tilespmem:$0x6000] =	vst v63  }
0x51: {  	_ =	swait.ge [sflag:s8], $0x2000  }
0x52: {  	[sflag:s8] =	ssyncset.done $0x0  }
0x53: {  	[sflag:s8] =	ssyncadd.s32 $0xFFFFE000  }
0x54: {  	s15 =	sadd.s32 $0x1, s15;
	_ =	swait.ge [sflag:s14], $0x2000  }
0x55: {  	p0 =	sne.s32 s15, s6;
	[sflag:s14] =	ssyncset.done $0x0  }
.Ltmp2:
0x56: {  	s31 =	sadd.s32 $0x400, s16;
	[sflag:s14] =	ssyncadd.s32 $0xFFFFE000;
	(pc) =	sbr.rel @p0 .LBB2_1-.Ltmp2, $4  }
0x57: {  	[hbm4b:s31+s2] =	stream.linear.scatter [tilespmem:s12], [sflag:$0x3], $0x2000, $0x38;
	[tilespmem:$0x6000] =	vst v63  }
0x58: {  	_ =	swait.ge [sflag:s8], $0x2000  }
0x59: {  	[sflag:s8] =	ssyncset.done $0x0  }
0x5a: {  	[sflag:s8] =	ssyncadd.s32 $0xFFFFE000  }
0x5b: {  	_ =	sfence.sel $0x180000  }
0x5c: {  	[bflag:$0x0] =	sbarrier.arrive $0xFFFF  }
0x5d: {  	p0 =	sne.s32 s0, $0x0;
	_ =	strace $0x9000004A  }
0x5e: {  	s0 =	sadd.s32 @!p0 $0x100000, s1;
	[bflag:$0x2] =	sbarrier.arrive $0xFFFF  }
0x5f: {  	[sflag:s0] =	ssyncadd.tile.s32 @!p0 $0x1;
	_ =	shalt  }
.Lfunc_end2:
_tile_overlayer_lowered:
.L_overlay_start_2:
0x60: {  	(tag) =	ssettag $0x2  }
0x61: {  	s0 =	rddreg [dreg:$0x0];
	s2 =	stileid.u32  }
0x62: {  	s1 =	rddreg [dreg:$0x1];
	p0 =	sne.s32 s2, $0x0  }
0x63: {  	s3 =	rddreg [dreg:$0x2];
	[bflag:$0x3] =	sbarrier.arrive $0xFFFF;
	s2 =	simm.s32 @!p0 $0x1C03  }
0x64: {  	[timem:s3], [sflag:s2] =	dma.local @!p0 [hbm:s0], s1  }
0x65: {  	s0 =	simm.s32 @!p0 $0x3  }
0x66: {  	_ =	swait.ge @!p0 [sflag:s0], s1  }
0x67: {  	s1 =	ssub.s32 @!p0 $0x0, s1;
	[sflag:s0] =	ssyncset.done @!p0 $0x0  }
0x68: {  	[sflag:s0] =	ssyncadd.s32 @!p0 s1  }
0x69: {  	[bflag:$0x3] =	sbarrier.arrive $0xFFFF  }
0x6a: {  	_ =	shalt  }

</sc_bundles>
